<compile_context>
chip_gen: v7x
topology: tpu7x:2x2x1
jax: 0.10.2.dev20260603
libtpu: 0.0.44.dev20260713+nightly
codegen_flags: <defaults>
</compile_context>

<pallas_src>
import functools

import jax
import jax.numpy as jnp
from jax import lax
from jax.experimental import pallas as pl
from jax.experimental.pallas import tpu as pltpu
from jax.experimental.pallas import tpu_sc as plsc

EMB = 128
BATCH = 16384
TAB = 1000
TAB_PAD = 1024
NUM_CORES = 2
NUM_SUBCORES = 16
NW = NUM_CORES * NUM_SUBCORES
B_PER_W = BATCH // NW
CHUNK = 32
N_CHUNKS = B_PER_W // CHUNK
ROWS_PER_TILE = TAB_PAD // NUM_SUBCORES


@jax.jit
def _sc_gather(idx, table):
    mesh = plsc.VectorSubcoreMesh(core_axis_name="c", subcore_axis_name="s")

    @functools.partial(
        pl.kernel,
        mesh=mesh,
        out_type=jax.ShapeDtypeStruct((BATCH, EMB), jnp.float32),
        scratch_types=[
            pltpu.VMEM((B_PER_W,), jnp.int32),
            pltpu.VMEM((N_CHUNKS, CHUNK, EMB), jnp.float32),
            pltpu.VMEM_SHARED((TAB_PAD, EMB), jnp.float32),
        ]
        + [pltpu.SemaphoreType.DMA] * (N_CHUNKS + 1),
    )
    def k(table_hbm, idx_hbm, out_hbm, idx_v, rows_v, table_sh, *sems):
        gsems, ssem = sems[:N_CHUNKS], sems[N_CHUNKS]
        sid = lax.axis_index("s")
        wid = sid * NUM_CORES + lax.axis_index("c")
        base = wid * B_PER_W
        row0 = sid * ROWS_PER_TILE
        tcopy = pltpu.async_copy(
            table_hbm.at[pl.ds(row0, ROWS_PER_TILE)],
            table_sh.at[pl.ds(row0, ROWS_PER_TILE)],
            ssem,
        )
        icopy = pltpu.async_copy(idx_hbm.at[pl.ds(base, B_PER_W)], idx_v, ssem)
        tcopy.wait()
        icopy.wait()
        plsc.subcore_barrier()
        gathers = [
            pltpu.async_copy(
                table_sh.at[idx_v.at[pl.ds(j * CHUNK, CHUNK)]], rows_v.at[j],
                gsems[j],
            )
            for j in range(N_CHUNKS)
        ]
        stores = []
        for j in range(N_CHUNKS):
            gathers[j].wait()
            stores.append(
                pltpu.async_copy(
                    rows_v.at[j], out_hbm.at[pl.ds(base + j * CHUNK, CHUNK)], ssem
                )
            )
        for s in stores:
            s.wait()

    return k(table, idx)


def kernel(t, pos_encoding):
    table_pad = jnp.pad(pos_encoding, ((0, TAB_PAD - TAB), (0, 0)))
    return _sc_gather(t.astype(jnp.int32), table_pad)

# --- scband reference (transcript-rebuilt; emitter-appended) ---
"""Pipeline reference for scband-positional-encoding-10299331576590 (READ-ONLY COPY).

The authoritative reference and input builder live on the scoring server;
editing this copy changes nothing except your own understanding.
"""

import math
import jax, jax.numpy as jnp
import numpy as np

EMB_DIM = 128
MAX_LEN = 1000
BATCH = 16384

def _build_pos_encoding():
    pos_encoding = np.zeros((MAX_LEN, EMB_DIM), dtype=np.float32)
    position = np.arange(0, MAX_LEN, dtype=np.float32)[:, None]
    div_term = np.exp(-math.log(10000.0) * np.arange(0, EMB_DIM, 2, dtype=np.float32) / EMB_DIM)
    pos_encoding[:, 0::2] = np.sin(position * div_term)
    pos_encoding[:, 1::2] = np.cos(position * div_term)
    return jnp.asarray(pos_encoding)

def setup_inputs(seed: int = 0) -> dict:
    key = jax.random.key(seed)
    t = jax.random.randint(key, (BATCH,), 0, MAX_LEN, dtype=jnp.int64 if jax.config.jax_enable_x64 else jnp.int32)
    pos_encoding = _build_pos_encoding()
    return {"t": t, "pos_encoding": pos_encoding}

def reference(t, pos_encoding):
    # positional_encoding = self.pos_encoding[t]  (gather rows)
    # .squeeze(1) is a no-op here since emb_dim != 1 (torch squeeze(1) only
    # removes dim 1 if its size is 1). apply_dropout=False, so no dropout.
    positional_encoding = jnp.take(pos_encoding, t, axis=0)
    return positional_encoding

if __name__ == "__main__":
    import jax
    _d = setup_inputs()
    print(jax.jit(kernel)(*tuple(_d.values())))

</pallas_src>

<mosaic_0001>
#map = affine_map<(d0, d1) -> (0, 0)>
#map1 = affine_map<(d0, d1) -> (0)>
module attributes {stable_mosaic.version = 14 : i64} {
  func.func @k(%arg0: i32, %arg1: i32, %arg2: memref<1024x128xf32, #tpu.memory_space<hbm>>, %arg3: memref<16384xi32, #tpu.memory_space<hbm>>, %arg4: memref<16384x128xf32, #tpu.memory_space<hbm>>, %arg5: memref<512xi32, #tpu.memory_space<vmem>>, %arg6: memref<16x32x128xf32, #tpu.memory_space<vmem>>, %arg7: memref<1024x128xf32, #tpu.memory_space<vmem_shared>>, %arg8: memref<!tpu.dma_semaphore, #tpu.memory_space<semaphore_mem>>, %arg9: memref<!tpu.dma_semaphore, #tpu.memory_space<semaphore_mem>>, %arg10: memref<!tpu.dma_semaphore, #tpu.memory_space<semaphore_mem>>, %arg11: memref<!tpu.dma_semaphore, #tpu.memory_space<semaphore_mem>>, %arg12: memref<!tpu.dma_semaphore, #tpu.memory_space<semaphore_mem>>, %arg13: memref<!tpu.dma_semaphore, #tpu.memory_space<semaphore_mem>>, %arg14: memref<!tpu.dma_semaphore, #tpu.memory_space<semaphore_mem>>, %arg15: memref<!tpu.dma_semaphore, #tpu.memory_space<semaphore_mem>>, %arg16: memref<!tpu.dma_semaphore, #tpu.memory_space<semaphore_mem>>, %arg17: memref<!tpu.dma_semaphore, #tpu.memory_space<semaphore_mem>>, %arg18: memref<!tpu.dma_semaphore, #tpu.memory_space<semaphore_mem>>, %arg19: memref<!tpu.dma_semaphore, #tpu.memory_space<semaphore_mem>>, %arg20: memref<!tpu.dma_semaphore, #tpu.memory_space<semaphore_mem>>, %arg21: memref<!tpu.dma_semaphore, #tpu.memory_space<semaphore_mem>>, %arg22: memref<!tpu.dma_semaphore, #tpu.memory_space<semaphore_mem>>, %arg23: memref<!tpu.dma_semaphore, #tpu.memory_space<semaphore_mem>>, %arg24: memref<!tpu.dma_semaphore, #tpu.memory_space<semaphore_mem>>) attributes {dimension_semantics = [#tpu.dimension_semantics<core_parallel>, #tpu.dimension_semantics<subcore_parallel>], iteration_bounds = array<i64: 2, 16>, scalar_prefetch = 0 : i64, scratch_operands = 20 : i64, tpu.core_type = #tpu.core_type<sc_vector_subcore>, window_params = [{transform_indices = #map}, {transform_indices = #map1}, {transform_indices = #map}]} {
    %mul3A = arith.constant 2 : i32
    %mul3A_0 = arith.muli %arg1, %mul3A : i32
    %add3A = arith.addi %mul3A_0, %arg0 : i32
    %mul3A_1 = arith.constant 512 : i32
    %mul3A_2 = arith.muli %add3A, %mul3A_1 : i32
    %mul3A_3 = arith.constant 64 : i32
    %mul3A_4 = arith.muli %arg1, %mul3A_3 : i32
    %dma_start3A = arith.constant 0 : i32
    %dma_start3A_5 = tpu.memref_slice %arg7[%mul3A_4, %dma_start3A] : memref<1024x128xf32, #tpu.memory_space<vmem_shared>> -> memref<64x128xf32, #tpu.memory_space<vmem_shared>>
    %dma_start3A_6 = arith.constant 0 : i32
    %dma_start3A_7 = tpu.memref_slice %arg2[%mul3A_4, %dma_start3A_6] : memref<1024x128xf32, #tpu.memory_space<hbm>> -> memref<64x128xf32, #tpu.memory_space<hbm>>
    tpu.enqueue_dma source(%dma_start3A_7 : memref<64x128xf32, #tpu.memory_space<hbm>>) target(%dma_start3A_5 : memref<64x128xf32, #tpu.memory_space<vmem_shared>>) target_semaphore(%arg24 : memref<!tpu.dma_semaphore, #tpu.memory_space<semaphore_mem>>)
    %dma_start3A_8 = tpu.memref_slice %arg3[%mul3A_2] : memref<16384xi32, #tpu.memory_space<hbm>> -> memref<512xi32, #tpu.memory_space<hbm>>
    %dma_start3A_9 = tpu.memref_slice %arg3[%mul3A_2] : memref<16384xi32, #tpu.memory_space<hbm>> -> memref<512xi32, #tpu.memory_space<hbm>>
    tpu.enqueue_dma source(%dma_start3A_9 : memref<512xi32, #tpu.memory_space<hbm>>) target(%arg5 : memref<512xi32, #tpu.memory_space<vmem>>) target_semaphore(%arg24 : memref<!tpu.dma_semaphore, #tpu.memory_space<semaphore_mem>>)
    %dma_wait3A = arith.constant 0 : i32
    %dma_wait3A_10 = tpu.memref_slice %arg7[%mul3A_4, %dma_wait3A] : memref<1024x128xf32, #tpu.memory_space<vmem_shared>> -> memref<64x128xf32, #tpu.memory_space<vmem_shared>>
    %dma_wait3A_11 = arith.constant 0 : i32
    %dma_wait3A_12 = tpu.memref_slice %arg2[%mul3A_4, %dma_wait3A_11] : memref<1024x128xf32, #tpu.memory_space<hbm>> -> memref<64x128xf32, #tpu.memory_space<hbm>>
    tpu.wait_dma2 semaphore(%arg24 : memref<!tpu.dma_semaphore, #tpu.memory_space<semaphore_mem>>) src(%dma_wait3A_12 : memref<64x128xf32, #tpu.memory_space<hbm>>) dst(%dma_wait3A_10 : memref<64x128xf32, #tpu.memory_space<vmem_shared>>)
    %dma_wait3A_13 = tpu.memref_slice %arg3[%mul3A_2] : memref<16384xi32, #tpu.memory_space<hbm>> -> memref<512xi32, #tpu.memory_space<hbm>>
    %dma_wait3A_14 = tpu.memref_slice %arg3[%mul3A_2] : memref<16384xi32, #tpu.memory_space<hbm>> -> memref<512xi32, #tpu.memory_space<hbm>>
    tpu.wait_dma2 semaphore(%arg24 : memref<!tpu.dma_semaphore, #tpu.memory_space<semaphore_mem>>) src(%dma_wait3A_14 : memref<512xi32, #tpu.memory_space<hbm>>) dst(%arg5 : memref<512xi32, #tpu.memory_space<vmem>>)
    %barrier3A = arith.constant 0 : index
    tpu.barrier barrier_id(%barrier3A)
    %dma_start3A_15 = arith.constant 0 : i32
    %dma_start3A_16 = arith.constant 0 : i32
    %dma_start3A_17 = arith.constant 0 : i32
    %dma_start3A_18 = tpu.memref_slice %arg6[%dma_start3A_15, %dma_start3A_16, %dma_start3A_17] : memref<16x32x128xf32, #tpu.memory_space<vmem>> -> memref<1x32x128xf32, #tpu.memory_space<vmem>>
    %dma_start3A_19 = tpu.memref_squeeze %dma_start3A_18 : memref<1x32x128xf32, #tpu.memory_space<vmem>> -> memref<32x128xf32, #tpu.memory_space<vmem>>
    %dma_start3A_20 = arith.constant 0 : i32
    %dma_start3A_21 = tpu.memref_slice %arg5[%dma_start3A_20] : memref<512xi32, #tpu.memory_space<vmem>> -> memref<32xi32, #tpu.memory_space<vmem>>
    %dma_start3A_22 = arith.constant 0 : i32
    %dma_start3A_23 = arith.constant 0 : i32
    %dma_start3A_24 = tpu.memref_slice %arg7[%dma_start3A_22, %dma_start3A_23] : memref<1024x128xf32, #tpu.memory_space<vmem_shared>> -> memref<1024x128xf32, #tpu.memory_space<vmem_shared>>
    tpu.enqueue_indirect_dma source(%dma_start3A_24 : memref<1024x128xf32, #tpu.memory_space<vmem_shared>>) target(%dma_start3A_19 : memref<32x128xf32, #tpu.memory_space<vmem>>) offsets(%dma_start3A_21 : memref<32xi32, #tpu.memory_space<vmem>>) semaphore(%arg8 : memref<!tpu.dma_semaphore, #tpu.memory_space<semaphore_mem>>)
    %dma_start3A_25 = arith.constant 1 : i32
    %dma_start3A_26 = arith.constant 0 : i32
    %dma_start3A_27 = arith.constant 0 : i32
    %dma_start3A_28 = tpu.memref_slice %arg6[%dma_start3A_25, %dma_start3A_26, %dma_start3A_27] : memref<16x32x128xf32, #tpu.memory_space<vmem>> -> memref<1x32x128xf32, #tpu.memory_space<vmem>>
    %dma_start3A_29 = tpu.memref_squeeze %dma_start3A_28 : memref<1x32x128xf32, #tpu.memory_space<vmem>> -> memref<32x128xf32, #tpu.memory_space<vmem>>
    %dma_start3A_30 = arith.constant 32 : i32
    %dma_start3A_31 = tpu.memref_slice %arg5[%dma_start3A_30] : memref<512xi32, #tpu.memory_space<vmem>> -> memref<32xi32, #tpu.memory_space<vmem>>
    %dma_start3A_32 = arith.constant 0 : i32
    %dma_start3A_33 = arith.constant 0 : i32
    %dma_start3A_34 = tpu.memref_slice %arg7[%dma_start3A_32, %dma_start3A_33] : memref<1024x128xf32, #tpu.memory_space<vmem_shared>> -> memref<1024x128xf32, #tpu.memory_space<vmem_shared>>
    tpu.enqueue_indirect_dma source(%dma_start3A_34 : memref<1024x128xf32, #tpu.memory_space<vmem_shared>>) target(%dma_start3A_29 : memref<32x128xf32, #tpu.memory_space<vmem>>) offsets(%dma_start3A_31 : memref<32xi32, #tpu.memory_space<vmem>>) semaphore(%arg9 : memref<!tpu.dma_semaphore, #tpu.memory_space<semaphore_mem>>)
    %dma_start3A_35 = arith.constant 2 : i32
    %dma_start3A_36 = arith.constant 0 : i32
    %dma_start3A_37 = arith.constant 0 : i32
    %dma_start3A_38 = tpu.memref_slice %arg6[%dma_start3A_35, %dma_start3A_36, %dma_start3A_37] : memref<16x32x128xf32, #tpu.memory_space<vmem>> -> memref<1x32x128xf32, #tpu.memory_space<vmem>>
    %dma_start3A_39 = tpu.memref_squeeze %dma_start3A_38 : memref<1x32x128xf32, #tpu.memory_space<vmem>> -> memref<32x128xf32, #tpu.memory_space<vmem>>
    %dma_start3A_40 = arith.constant 64 : i32
    %dma_start3A_41 = tpu.memref_slice %arg5[%dma_start3A_40] : memref<512xi32, #tpu.memory_space<vmem>> -> memref<32xi32, #tpu.memory_space<vmem>>
    %dma_start3A_42 = arith.constant 0 : i32
    %dma_start3A_43 = arith.constant 0 : i32
    %dma_start3A_44 = tpu.memref_slice %arg7[%dma_start3A_42, %dma_start3A_43] : memref<1024x128xf32, #tpu.memory_space<vmem_shared>> -> memref<1024x128xf32, #tpu.memory_space<vmem_shared>>
    tpu.enqueue_indirect_dma source(%dma_start3A_44 : memref<1024x128xf32, #tpu.memory_space<vmem_shared>>) target(%dma_start3A_39 : memref<32x128xf32, #tpu.memory_space<vmem>>) offsets(%dma_start3A_41 : memref<32xi32, #tpu.memory_space<vmem>>) semaphore(%arg10 : memref<!tpu.dma_semaphore, #tpu.memory_space<semaphore_mem>>)
    %dma_start3A_45 = arith.constant 3 : i32
    %dma_start3A_46 = arith.constant 0 : i32
    %dma_start3A_47 = arith.constant 0 : i32
    %dma_start3A_48 = tpu.memref_slice %arg6[%dma_start3A_45, %dma_start3A_46, %dma_start3A_47] : memref<16x32x128xf32, #tpu.memory_space<vmem>> -> memref<1x32x128xf32, #tpu.memory_space<vmem>>
    %dma_start3A_49 = tpu.memref_squeeze %dma_start3A_48 : memref<1x32x128xf32, #tpu.memory_space<vmem>> -> memref<32x128xf32, #tpu.memory_space<vmem>>
    %dma_start3A_50 = arith.constant 96 : i32
    %dma_start3A_51 = tpu.memref_slice %arg5[%dma_start3A_50] : memref<512xi32, #tpu.memory_space<vmem>> -> memref<32xi32, #tpu.memory_space<vmem>>
    %dma_start3A_52 = arith.constant 0 : i32
    %dma_start3A_53 = arith.constant 0 : i32
    %dma_start3A_54 = tpu.memref_slice %arg7[%dma_start3A_52, %dma_start3A_53] : memref<1024x128xf32, #tpu.memory_space<vmem_shared>> -> memref<1024x128xf32, #tpu.memory_space<vmem_shared>>
    tpu.enqueue_indirect_dma source(%dma_start3A_54 : memref<1024x128xf32, #tpu.memory_space<vmem_shared>>) target(%dma_start3A_49 : memref<32x128xf32, #tpu.memory_space<vmem>>) offsets(%dma_start3A_51 : memref<32xi32, #tpu.memory_space<vmem>>) semaphore(%arg11 : memref<!tpu.dma_semaphore, #tpu.memory_space<semaphore_mem>>)
    %dma_start3A_55 = arith.constant 4 : i32
    %dma_start3A_56 = arith.constant 0 : i32
    %dma_start3A_57 = arith.constant 0 : i32
    %dma_start3A_58 = tpu.memref_slice %arg6[%dma_start3A_55, %dma_start3A_56, %dma_start3A_57] : memref<16x32x128xf32, #tpu.memory_space<vmem>> -> memref<1x32x128xf32, #tpu.memory_space<vmem>>
    %dma_start3A_59 = tpu.memref_squeeze %dma_start3A_58 : memref<1x32x128xf32, #tpu.memory_space<vmem>> -> memref<32x128xf32, #tpu.memory_space<vmem>>
    %dma_start3A_60 = arith.constant 128 : i32
    %dma_start3A_61 = tpu.memref_slice %arg5[%dma_start3A_60] : memref<512xi32, #tpu.memory_space<vmem>> -> memref<32xi32, #tpu.memory_space<vmem>>
    %dma_start3A_62 = arith.constant 0 : i32
    %dma_start3A_63 = arith.constant 0 : i32
    %dma_start3A_64 = tpu.memref_slice %arg7[%dma_start3A_62, %dma_start3A_63] : memref<1024x128xf32, #tpu.memory_space<vmem_shared>> -> memref<1024x128xf32, #tpu.memory_space<vmem_shared>>
    tpu.enqueue_indirect_dma source(%dma_start3A_64 : memref<1024x128xf32, #tpu.memory_space<vmem_shared>>) target(%dma_start3A_59 : memref<32x128xf32, #tpu.memory_space<vmem>>) offsets(%dma_start3A_61 : memref<32xi32, #tpu.memory_space<vmem>>) semaphore(%arg12 : memref<!tpu.dma_semaphore, #tpu.memory_space<semaphore_mem>>)
    %dma_start3A_65 = arith.constant 5 : i32
    %dma_start3A_66 = arith.constant 0 : i32
    %dma_start3A_67 = arith.constant 0 : i32
    %dma_start3A_68 = tpu.memref_slice %arg6[%dma_start3A_65, %dma_start3A_66, %dma_start3A_67] : memref<16x32x128xf32, #tpu.memory_space<vmem>> -> memref<1x32x128xf32, #tpu.memory_space<vmem>>
    %dma_start3A_69 = tpu.memref_squeeze %dma_start3A_68 : memref<1x32x128xf32, #tpu.memory_space<vmem>> -> memref<32x128xf32, #tpu.memory_space<vmem>>
    %dma_start3A_70 = arith.constant 160 : i32
    %dma_start3A_71 = tpu.memref_slice %arg5[%dma_start3A_70] : memref<512xi32, #tpu.memory_space<vmem>> -> memref<32xi32, #tpu.memory_space<vmem>>
    %dma_start3A_72 = arith.constant 0 : i32
    %dma_start3A_73 = arith.constant 0 : i32
    %dma_start3A_74 = tpu.memref_slice %arg7[%dma_start3A_72, %dma_start3A_73] : memref<1024x128xf32, #tpu.memory_space<vmem_shared>> -> memref<1024x128xf32, #tpu.memory_space<vmem_shared>>
    tpu.enqueue_indirect_dma source(%dma_start3A_74 : memref<1024x128xf32, #tpu.memory_space<vmem_shared>>) target(%dma_start3A_69 : memref<32x128xf32, #tpu.memory_space<vmem>>) offsets(%dma_start3A_71 : memref<32xi32, #tpu.memory_space<vmem>>) semaphore(%arg13 : memref<!tpu.dma_semaphore, #tpu.memory_space<semaphore_mem>>)
    %dma_start3A_75 = arith.constant 6 : i32
    %dma_start3A_76 = arith.constant 0 : i32
    %dma_start3A_77 = arith.constant 0 : i32
    %dma_start3A_78 = tpu.memref_slice %arg6[%dma_start3A_75, %dma_start3A_76, %dma_start3A_77] : memref<16x32x128xf32, #tpu.memory_space<vmem>> -> memref<1x32x128xf32, #tpu.memory_space<vmem>>
    %dma_start3A_79 = tpu.memref_squeeze %dma_start3A_78 : memref<1x32x128xf32, #tpu.memory_space<vmem>> -> memref<32x128xf32, #tpu.memory_space<vmem>>
    %dma_start3A_80 = arith.constant 192 : i32
    %dma_start3A_81 = tpu.memref_slice %arg5[%dma_start3A_80] : memref<512xi32, #tpu.memory_space<vmem>> -> memref<32xi32, #tpu.memory_space<vmem>>
    %dma_start3A_82 = arith.constant 0 : i32
    %dma_start3A_83 = arith.constant 0 : i32
    %dma_start3A_84 = tpu.memref_slice %arg7[%dma_start3A_82, %dma_start3A_83] : memref<1024x128xf32, #tpu.memory_space<vmem_shared>> -> memref<1024x128xf32, #tpu.memory_space<vmem_shared>>
    tpu.enqueue_indirect_dma source(%dma_start3A_84 : memref<1024x128xf32, #tpu.memory_space<vmem_shared>>) target(%dma_start3A_79 : memref<32x128xf32, #tpu.memory_space<vmem>>) offsets(%dma_start3A_81 : memref<32xi32, #tpu.memory_space<vmem>>) semaphore(%arg14 : memref<!tpu.dma_semaphore, #tpu.memory_space<semaphore_mem>>)
    %dma_start3A_85 = arith.constant 7 : i32
    %dma_start3A_86 = arith.constant 0 : i32
    %dma_start3A_87 = arith.constant 0 : i32
    %dma_start3A_88 = tpu.memref_slice %arg6[%dma_start3A_85, %dma_start3A_86, %dma_start3A_87] : memref<16x32x128xf32, #tpu.memory_space<vmem>> -> memref<1x32x128xf32, #tpu.memory_space<vmem>>
    %dma_start3A_89 = tpu.memref_squeeze %dma_start3A_88 : memref<1x32x128xf32, #tpu.memory_space<vmem>> -> memref<32x128xf32, #tpu.memory_space<vmem>>
    %dma_start3A_90 = arith.constant 224 : i32
    %dma_start3A_91 = tpu.memref_slice %arg5[%dma_start3A_90] : memref<512xi32, #tpu.memory_space<vmem>> -> memref<32xi32, #tpu.memory_space<vmem>>
    %dma_start3A_92 = arith.constant 0 : i32
    %dma_start3A_93 = arith.constant 0 : i32
    %dma_start3A_94 = tpu.memref_slice %arg7[%dma_start3A_92, %dma_start3A_93] : memref<1024x128xf32, #tpu.memory_space<vmem_shared>> -> memref<1024x128xf32, #tpu.memory_space<vmem_shared>>
    tpu.enqueue_indirect_dma source(%dma_start3A_94 : memref<1024x128xf32, #tpu.memory_space<vmem_shared>>) target(%dma_start3A_89 : memref<32x128xf32, #tpu.memory_space<vmem>>) offsets(%dma_start3A_91 : memref<32xi32, #tpu.memory_space<vmem>>) semaphore(%arg15 : memref<!tpu.dma_semaphore, #tpu.memory_space<semaphore_mem>>)
    %dma_start3A_95 = arith.constant 8 : i32
    %dma_start3A_96 = arith.constant 0 : i32
    %dma_start3A_97 = arith.constant 0 : i32
    %dma_start3A_98 = tpu.memref_slice %arg6[%dma_start3A_95, %dma_start3A_96, %dma_start3A_97] : memref<16x32x128xf32, #tpu.memory_space<vmem>> -> memref<1x32x128xf32, #tpu.memory_space<vmem>>
    %dma_start3A_99 = tpu.memref_squeeze %dma_start3A_98 : memref<1x32x128xf32, #tpu.memory_space<vmem>> -> memref<32x128xf32, #tpu.memory_space<vmem>>
    %dma_start3A_100 = arith.constant 256 : i32
    %dma_start3A_101 = tpu.memref_slice %arg5[%dma_start3A_100] : memref<512xi32, #tpu.memory_space<vmem>> -> memref<32xi32, #tpu.memory_space<vmem>>
    %dma_start3A_102 = arith.constant 0 : i32
    %dma_start3A_103 = arith.constant 0 : i32
    %dma_start3A_104 = tpu.memref_slice %arg7[%dma_start3A_102, %dma_start3A_103] : memref<1024x128xf32, #tpu.memory_space<vmem_shared>> -> memref<1024x128xf32, #tpu.memory_space<vmem_shared>>
    tpu.enqueue_indirect_dma source(%dma_start3A_104 : memref<1024x128xf32, #tpu.memory_space<vmem_shared>>) target(%dma_start3A_99 : memref<32x128xf32, #tpu.memory_space<vmem>>) offsets(%dma_start3A_101 : memref<32xi32, #tpu.memory_space<vmem>>) semaphore(%arg16 : memref<!tpu.dma_semaphore, #tpu.memory_space<semaphore_mem>>)
    %dma_start3A_105 = arith.constant 9 : i32
    %dma_start3A_106 = arith.constant 0 : i32
    %dma_start3A_107 = arith.constant 0 : i32
    %dma_start3A_108 = tpu.memref_slice %arg6[%dma_start3A_105, %dma_start3A_106, %dma_start3A_107] : memref<16x32x128xf32, #tpu.memory_space<vmem>> -> memref<1x32x128xf32, #tpu.memory_space<vmem>>
    %dma_start3A_109 = tpu.memref_squeeze %dma_start3A_108 : memref<1x32x128xf32, #tpu.memory_space<vmem>> -> memref<32x128xf32, #tpu.memory_space<vmem>>
    %dma_start3A_110 = arith.constant 288 : i32
    %dma_start3A_111 = tpu.memref_slice %arg5[%dma_start3A_110] : memref<512xi32, #tpu.memory_space<vmem>> -> memref<32xi32, #tpu.memory_space<vmem>>
    %dma_start3A_112 = arith.constant 0 : i32
    %dma_start3A_113 = arith.constant 0 : i32
    %dma_start3A_114 = tpu.memref_slice %arg7[%dma_start3A_112, %dma_start3A_113] : memref<1024x128xf32, #tpu.memory_space<vmem_shared>> -> memref<1024x128xf32, #tpu.memory_space<vmem_shared>>
    tpu.enqueue_indirect_dma source(%dma_start3A_114 : memref<1024x128xf32, #tpu.memory_space<vmem_shared>>) target(%dma_start3A_109 : memref<32x128xf32, #tpu.memory_space<vmem>>) offsets(%dma_start3A_111 : memref<32xi32, #tpu.memory_space<vmem>>) semaphore(%arg17 : memref<!tpu.dma_semaphore, #tpu.memory_space<semaphore_mem>>)
    %dma_start3A_115 = arith.constant 10 : i32
    %dma_start3A_116 = arith.constant 0 : i32
    %dma_start3A_117 = arith.constant 0 : i32
    %dma_start3A_118 = tpu.memref_slice %arg6[%dma_start3A_115, %dma_start3A_116, %dma_start3A_117] : memref<16x32x128xf32, #tpu.memory_space<vmem>> -> memref<1x32x128xf32, #tpu.memory_space<vmem>>
    %dma_start3A_119 = tpu.memref_squeeze %dma_start3A_118 : memref<1x32x128xf32, #tpu.memory_space<vmem>> -> memref<32x128xf32, #tpu.memory_space<vmem>>
    %dma_start3A_120 = arith.constant 320 : i32
    %dma_start3A_121 = tpu.memref_slice %arg5[%dma_start3A_120] : memref<512xi32, #tpu.memory_space<vmem>> -> memref<32xi32, #tpu.memory_space<vmem>>
    %dma_start3A_122 = arith.constant 0 : i32
    %dma_start3A_123 = arith.constant 0 : i32
    %dma_start3A_124 = tpu.memref_slice %arg7[%dma_start3A_122, %dma_start3A_123] : memref<1024x128xf32, #tpu.memory_space<vmem_shared>> -> memref<1024x128xf32, #tpu.memory_space<vmem_shared>>
    tpu.enqueue_indirect_dma source(%dma_start3A_124 : memref<1024x128xf32, #tpu.memory_space<vmem_shared>>) target(%dma_start3A_119 : memref<32x128xf32, #tpu.memory_space<vmem>>) offsets(%dma_start3A_121 : memref<32xi32, #tpu.memory_space<vmem>>) semaphore(%arg18 : memref<!tpu.dma_semaphore, #tpu.memory_space<semaphore_mem>>)
    %dma_start3A_125 = arith.constant 11 : i32
    %dma_start3A_126 = arith.constant 0 : i32
    %dma_start3A_127 = arith.constant 0 : i32
    %dma_start3A_128 = tpu.memref_slice %arg6[%dma_start3A_125, %dma_start3A_126, %dma_start3A_127] : memref<16x32x128xf32, #tpu.memory_space<vmem>> -> memref<1x32x128xf32, #tpu.memory_space<vmem>>
    %dma_start3A_129 = tpu.memref_squeeze %dma_start3A_128 : memref<1x32x128xf32, #tpu.memory_space<vmem>> -> memref<32x128xf32, #tpu.memory_space<vmem>>
    %dma_start3A_130 = arith.constant 352 : i32
    %dma_start3A_131 = tpu.memref_slice %arg5[%dma_start3A_130] : memref<512xi32, #tpu.memory_space<vmem>> -> memref<32xi32, #tpu.memory_space<vmem>>
    %dma_start3A_132 = arith.constant 0 : i32
    %dma_start3A_133 = arith.constant 0 : i32
    %dma_start3A_134 = tpu.memref_slice %arg7[%dma_start3A_132, %dma_start3A_133] : memref<1024x128xf32, #tpu.memory_space<vmem_shared>> -> memref<1024x128xf32, #tpu.memory_space<vmem_shared>>
    tpu.enqueue_indirect_dma source(%dma_start3A_134 : memref<1024x128xf32, #tpu.memory_space<vmem_shared>>) target(%dma_start3A_129 : memref<32x128xf32, #tpu.memory_space<vmem>>) offsets(%dma_start3A_131 : memref<32xi32, #tpu.memory_space<vmem>>) semaphore(%arg19 : memref<!tpu.dma_semaphore, #tpu.memory_space<semaphore_mem>>)
    %dma_start3A_135 = arith.constant 12 : i32
    %dma_start3A_136 = arith.constant 0 : i32
    %dma_start3A_137 = arith.constant 0 : i32
    %dma_start3A_138 = tpu.memref_slice %arg6[%dma_start3A_135, %dma_start3A_136, %dma_start3A_137] : memref<16x32x128xf32, #tpu.memory_space<vmem>> -> memref<1x32x128xf32, #tpu.memory_space<vmem>>
    %dma_start3A_139 = tpu.memref_squeeze %dma_start3A_138 : memref<1x32x128xf32, #tpu.memory_space<vmem>> -> memref<32x128xf32, #tpu.memory_space<vmem>>
    %dma_start3A_140 = arith.constant 384 : i32
    %dma_start3A_141 = tpu.memref_slice %arg5[%dma_start3A_140] : memref<512xi32, #tpu.memory_space<vmem>> -> memref<32xi32, #tpu.memory_space<vmem>>
    %dma_start3A_142 = arith.constant 0 : i32
    %dma_start3A_143 = arith.constant 0 : i32
    %dma_start3A_144 = tpu.memref_slice %arg7[%dma_start3A_142, %dma_start3A_143] : memref<1024x128xf32, #tpu.memory_space<vmem_shared>> -> memref<1024x128xf32, #tpu.memory_space<vmem_shared>>
    tpu.enqueue_indirect_dma source(%dma_start3A_144 : memref<1024x128xf32, #tpu.memory_space<vmem_shared>>) target(%dma_start3A_139 : memref<32x128xf32, #tpu.memory_space<vmem>>) offsets(%dma_start3A_141 : memref<32xi32, #tpu.memory_space<vmem>>) semaphore(%arg20 : memref<!tpu.dma_semaphore, #tpu.memory_space<semaphore_mem>>)
    %dma_start3A_145 = arith.constant 13 : i32
    %dma_start3A_146 = arith.constant 0 : i32
    %dma_start3A_147 = arith.constant 0 : i32
    %dma_start3A_148 = tpu.memref_slice %arg6[%dma_start3A_145, %dma_start3A_146, %dma_start3A_147] : memref<16x32x128xf32, #tpu.memory_space<vmem>> -> memref<1x32x128xf32, #tpu.memory_space<vmem>>
    %dma_start3A_149 = tpu.memref_squeeze %dma_start3A_148 : memref<1x32x128xf32, #tpu.memory_space<vmem>> -> memref<32x128xf32, #tpu.memory_space<vmem>>
    %dma_start3A_150 = arith.constant 416 : i32
    %dma_start3A_151 = tpu.memref_slice %arg5[%dma_start3A_150] : memref<512xi32, #tpu.memory_space<vmem>> -> memref<32xi32, #tpu.memory_space<vmem>>
    %dma_start3A_152 = arith.constant 0 : i32
    %dma_start3A_153 = arith.constant 0 : i32
    %dma_start3A_154 = tpu.memref_slice %arg7[%dma_start3A_152, %dma_start3A_153] : memref<1024x128xf32, #tpu.memory_space<vmem_shared>> -> memref<1024x128xf32, #tpu.memory_space<vmem_shared>>
    tpu.enqueue_indirect_dma source(%dma_start3A_154 : memref<1024x128xf32, #tpu.memory_space<vmem_shared>>) target(%dma_start3A_149 : memref<32x128xf32, #tpu.memory_space<vmem>>) offsets(%dma_start3A_151 : memref<32xi32, #tpu.memory_space<vmem>>) semaphore(%arg21 : memref<!tpu.dma_semaphore, #tpu.memory_space<semaphore_mem>>)
    %dma_start3A_155 = arith.constant 14 : i32
    %dma_start3A_156 = arith.constant 0 : i32
    %dma_start3A_157 = arith.constant 0 : i32
    %dma_start3A_158 = tpu.memref_slice %arg6[%dma_start3A_155, %dma_start3A_156, %dma_start3A_157] : memref<16x32x128xf32, #tpu.memory_space<vmem>> -> memref<1x32x128xf32, #tpu.memory_space<vmem>>
    %dma_start3A_159 = tpu.memref_squeeze %dma_start3A_158 : memref<1x32x128xf32, #tpu.memory_space<vmem>> -> memref<32x128xf32, #tpu.memory_space<vmem>>
    %dma_start3A_160 = arith.constant 448 : i32
    %dma_start3A_161 = tpu.memref_slice %arg5[%dma_start3A_160] : memref<512xi32, #tpu.memory_space<vmem>> -> memref<32xi32, #tpu.memory_space<vmem>>
    %dma_start3A_162 = arith.constant 0 : i32
    %dma_start3A_163 = arith.constant 0 : i32
    %dma_start3A_164 = tpu.memref_slice %arg7[%dma_start3A_162, %dma_start3A_163] : memref<1024x128xf32, #tpu.memory_space<vmem_shared>> -> memref<1024x128xf32, #tpu.memory_space<vmem_shared>>
    tpu.enqueue_indirect_dma source(%dma_start3A_164 : memref<1024x128xf32, #tpu.memory_space<vmem_shared>>) target(%dma_start3A_159 : memref<32x128xf32, #tpu.memory_space<vmem>>) offsets(%dma_start3A_161 : memref<32xi32, #tpu.memory_space<vmem>>) semaphore(%arg22 : memref<!tpu.dma_semaphore, #tpu.memory_space<semaphore_mem>>)
    %dma_start3A_165 = arith.constant 15 : i32
    %dma_start3A_166 = arith.constant 0 : i32
    %dma_start3A_167 = arith.constant 0 : i32
    %dma_start3A_168 = tpu.memref_slice %arg6[%dma_start3A_165, %dma_start3A_166, %dma_start3A_167] : memref<16x32x128xf32, #tpu.memory_space<vmem>> -> memref<1x32x128xf32, #tpu.memory_space<vmem>>
    %dma_start3A_169 = tpu.memref_squeeze %dma_start3A_168 : memref<1x32x128xf32, #tpu.memory_space<vmem>> -> memref<32x128xf32, #tpu.memory_space<vmem>>
    %dma_start3A_170 = arith.constant 480 : i32
    %dma_start3A_171 = tpu.memref_slice %arg5[%dma_start3A_170] : memref<512xi32, #tpu.memory_space<vmem>> -> memref<32xi32, #tpu.memory_space<vmem>>
    %dma_start3A_172 = arith.constant 0 : i32
    %dma_start3A_173 = arith.constant 0 : i32
    %dma_start3A_174 = tpu.memref_slice %arg7[%dma_start3A_172, %dma_start3A_173] : memref<1024x128xf32, #tpu.memory_space<vmem_shared>> -> memref<1024x128xf32, #tpu.memory_space<vmem_shared>>
    tpu.enqueue_indirect_dma source(%dma_start3A_174 : memref<1024x128xf32, #tpu.memory_space<vmem_shared>>) target(%dma_start3A_169 : memref<32x128xf32, #tpu.memory_space<vmem>>) offsets(%dma_start3A_171 : memref<32xi32, #tpu.memory_space<vmem>>) semaphore(%arg23 : memref<!tpu.dma_semaphore, #tpu.memory_space<semaphore_mem>>)
    %dma_wait3A_175 = arith.constant 0 : i32
    %dma_wait3A_176 = arith.constant 0 : i32
    %dma_wait3A_177 = arith.constant 0 : i32
    %dma_wait3A_178 = tpu.memref_slice %arg6[%dma_wait3A_175, %dma_wait3A_176, %dma_wait3A_177] : memref<16x32x128xf32, #tpu.memory_space<vmem>> -> memref<1x32x128xf32, #tpu.memory_space<vmem>>
    %dma_wait3A_179 = tpu.memref_squeeze %dma_wait3A_178 : memref<1x32x128xf32, #tpu.memory_space<vmem>> -> memref<32x128xf32, #tpu.memory_space<vmem>>
    %dma_wait3A_180 = arith.constant 0 : i32
    %dma_wait3A_181 = tpu.memref_slice %arg5[%dma_wait3A_180] : memref<512xi32, #tpu.memory_space<vmem>> -> memref<32xi32, #tpu.memory_space<vmem>>
    %dma_wait3A_182 = arith.constant 0 : i32
    %dma_wait3A_183 = arith.constant 0 : i32
    %dma_wait3A_184 = tpu.memref_slice %arg7[%dma_wait3A_182, %dma_wait3A_183] : memref<1024x128xf32, #tpu.memory_space<vmem_shared>> -> memref<1024x128xf32, #tpu.memory_space<vmem_shared>>
    tpu.wait_indirect_dma semaphore(%arg8 : memref<!tpu.dma_semaphore, #tpu.memory_space<semaphore_mem>>) src(%dma_wait3A_184 : memref<1024x128xf32, #tpu.memory_space<vmem_shared>>) dst(%dma_wait3A_179 : memref<32x128xf32, #tpu.memory_space<vmem>>)
    %add3A_185 = arith.constant 0 : i32
    %add3A_186 = arith.addi %mul3A_2, %add3A_185 : i32
    %dma_start3A_187 = arith.constant 0 : i32
    %dma_start3A_188 = arith.constant 0 : i32
    %dma_start3A_189 = arith.constant 0 : i32
    %dma_start3A_190 = tpu.memref_slice %arg6[%dma_start3A_187, %dma_start3A_188, %dma_start3A_189] : memref<16x32x128xf32, #tpu.memory_space<vmem>> -> memref<1x32x128xf32, #tpu.memory_space<vmem>>
    %dma_start3A_191 = tpu.memref_squeeze %dma_start3A_190 : memref<1x32x128xf32, #tpu.memory_space<vmem>> -> memref<32x128xf32, #tpu.memory_space<vmem>>
    %dma_start3A_192 = arith.constant 0 : i32
    %dma_start3A_193 = tpu.memref_slice %arg4[%add3A_186, %dma_start3A_192] : memref<16384x128xf32, #tpu.memory_space<hbm>> -> memref<32x128xf32, #tpu.memory_space<hbm>>
    %dma_start3A_194 = arith.constant 0 : i32
    %dma_start3A_195 = tpu.memref_slice %arg4[%add3A_186, %dma_start3A_194] : memref<16384x128xf32, #tpu.memory_space<hbm>> -> memref<32x128xf32, #tpu.memory_space<hbm>>
    %dma_start3A_196 = arith.constant 0 : i32
    %dma_start3A_197 = arith.constant 0 : i32
    %dma_start3A_198 = tpu.memref_slice %arg6[%dma_start3A_187, %dma_start3A_196, %dma_start3A_197] : memref<16x32x128xf32, #tpu.memory_space<vmem>> -> memref<1x32x128xf32, #tpu.memory_space<vmem>>
    %dma_start3A_199 = tpu.memref_squeeze %dma_start3A_198 : memref<1x32x128xf32, #tpu.memory_space<vmem>> -> memref<32x128xf32, #tpu.memory_space<vmem>>
    tpu.enqueue_dma source(%dma_start3A_199 : memref<32x128xf32, #tpu.memory_space<vmem>>) target(%dma_start3A_195 : memref<32x128xf32, #tpu.memory_space<hbm>>) target_semaphore(%arg24 : memref<!tpu.dma_semaphore, #tpu.memory_space<semaphore_mem>>)
    %dma_wait3A_200 = arith.constant 1 : i32
    %dma_wait3A_201 = arith.constant 0 : i32
    %dma_wait3A_202 = arith.constant 0 : i32
    %dma_wait3A_203 = tpu.memref_slice %arg6[%dma_wait3A_200, %dma_wait3A_201, %dma_wait3A_202] : memref<16x32x128xf32, #tpu.memory_space<vmem>> -> memref<1x32x128xf32, #tpu.memory_space<vmem>>
    %dma_wait3A_204 = tpu.memref_squeeze %dma_wait3A_203 : memref<1x32x128xf32, #tpu.memory_space<vmem>> -> memref<32x128xf32, #tpu.memory_space<vmem>>
    %dma_wait3A_205 = arith.constant 32 : i32
    %dma_wait3A_206 = tpu.memref_slice %arg5[%dma_wait3A_205] : memref<512xi32, #tpu.memory_space<vmem>> -> memref<32xi32, #tpu.memory_space<vmem>>
    %dma_wait3A_207 = arith.constant 0 : i32
    %dma_wait3A_208 = arith.constant 0 : i32
    %dma_wait3A_209 = tpu.memref_slice %arg7[%dma_wait3A_207, %dma_wait3A_208] : memref<1024x128xf32, #tpu.memory_space<vmem_shared>> -> memref<1024x128xf32, #tpu.memory_space<vmem_shared>>
    tpu.wait_indirect_dma semaphore(%arg9 : memref<!tpu.dma_semaphore, #tpu.memory_space<semaphore_mem>>) src(%dma_wait3A_209 : memref<1024x128xf32, #tpu.memory_space<vmem_shared>>) dst(%dma_wait3A_204 : memref<32x128xf32, #tpu.memory_space<vmem>>)
    %add3A_210 = arith.constant 32 : i32
    %add3A_211 = arith.addi %mul3A_2, %add3A_210 : i32
    %dma_start3A_212 = arith.constant 1 : i32
    %dma_start3A_213 = arith.constant 0 : i32
    %dma_start3A_214 = arith.constant 0 : i32
    %dma_start3A_215 = tpu.memref_slice %arg6[%dma_start3A_212, %dma_start3A_213, %dma_start3A_214] : memref<16x32x128xf32, #tpu.memory_space<vmem>> -> memref<1x32x128xf32, #tpu.memory_space<vmem>>
    %dma_start3A_216 = tpu.memref_squeeze %dma_start3A_215 : memref<1x32x128xf32, #tpu.memory_space<vmem>> -> memref<32x128xf32, #tpu.memory_space<vmem>>
    %dma_start3A_217 = arith.constant 0 : i32
    %dma_start3A_218 = tpu.memref_slice %arg4[%add3A_211, %dma_start3A_217] : memref<16384x128xf32, #tpu.memory_space<hbm>> -> memref<32x128xf32, #tpu.memory_space<hbm>>
    %dma_start3A_219 = arith.constant 0 : i32
    %dma_start3A_220 = tpu.memref_slice %arg4[%add3A_211, %dma_start3A_219] : memref<16384x128xf32, #tpu.memory_space<hbm>> -> memref<32x128xf32, #tpu.memory_space<hbm>>
    %dma_start3A_221 = arith.constant 0 : i32
    %dma_start3A_222 = arith.constant 0 : i32
    %dma_start3A_223 = tpu.memref_slice %arg6[%dma_start3A_212, %dma_start3A_221, %dma_start3A_222] : memref<16x32x128xf32, #tpu.memory_space<vmem>> -> memref<1x32x128xf32, #tpu.memory_space<vmem>>
    %dma_start3A_224 = tpu.memref_squeeze %dma_start3A_223 : memref<1x32x128xf32, #tpu.memory_space<vmem>> -> memref<32x128xf32, #tpu.memory_space<vmem>>
    tpu.enqueue_dma source(%dma_start3A_224 : memref<32x128xf32, #tpu.memory_space<vmem>>) target(%dma_start3A_220 : memref<32x128xf32, #tpu.memory_space<hbm>>) target_semaphore(%arg24 : memref<!tpu.dma_semaphore, #tpu.memory_space<semaphore_mem>>)
    %dma_wait3A_225 = arith.constant 2 : i32
    %dma_wait3A_226 = arith.constant 0 : i32
    %dma_wait3A_227 = arith.constant 0 : i32
    %dma_wait3A_228 = tpu.memref_slice %arg6[%dma_wait3A_225, %dma_wait3A_226, %dma_wait3A_227] : memref<16x32x128xf32, #tpu.memory_space<vmem>> -> memref<1x32x128xf32, #tpu.memory_space<vmem>>
    %dma_wait3A_229 = tpu.memref_squeeze %dma_wait3A_228 : memref<1x32x128xf32, #tpu.memory_space<vmem>> -> memref<32x128xf32, #tpu.memory_space<vmem>>
    %dma_wait3A_230 = arith.constant 64 : i32
    %dma_wait3A_231 = tpu.memref_slice %arg5[%dma_wait3A_230] : memref<512xi32, #tpu.memory_space<vmem>> -> memref<32xi32, #tpu.memory_space<vmem>>
    %dma_wait3A_232 = arith.constant 0 : i32
    %dma_wait3A_233 = arith.constant 0 : i32
    %dma_wait3A_234 = tpu.memref_slice %arg7[%dma_wait3A_232, %dma_wait3A_233] : memref<1024x128xf32, #tpu.memory_space<vmem_shared>> -> memref<1024x128xf32, #tpu.memory_space<vmem_shared>>
    tpu.wait_indirect_dma semaphore(%arg10 : memref<!tpu.dma_semaphore, #tpu.memory_space<semaphore_mem>>) src(%dma_wait3A_234 : memref<1024x128xf32, #tpu.memory_space<vmem_shared>>) dst(%dma_wait3A_229 : memref<32x128xf32, #tpu.memory_space<vmem>>)
    %add3A_235 = arith.constant 64 : i32
    %add3A_236 = arith.addi %mul3A_2, %add3A_235 : i32
    %dma_start3A_237 = arith.constant 2 : i32
    %dma_start3A_238 = arith.constant 0 : i32
    %dma_start3A_239 = arith.constant 0 : i32
    %dma_start3A_240 = tpu.memref_slice %arg6[%dma_start3A_237, %dma_start3A_238, %dma_start3A_239] : memref<16x32x128xf32, #tpu.memory_space<vmem>> -> memref<1x32x128xf32, #tpu.memory_space<vmem>>
    %dma_start3A_241 = tpu.memref_squeeze %dma_start3A_240 : memref<1x32x128xf32, #tpu.memory_space<vmem>> -> memref<32x128xf32, #tpu.memory_space<vmem>>
    %dma_start3A_242 = arith.constant 0 : i32
    %dma_start3A_243 = tpu.memref_slice %arg4[%add3A_236, %dma_start3A_242] : memref<16384x128xf32, #tpu.memory_space<hbm>> -> memref<32x128xf32, #tpu.memory_space<hbm>>
    %dma_start3A_244 = arith.constant 0 : i32
    %dma_start3A_245 = tpu.memref_slice %arg4[%add3A_236, %dma_start3A_244] : memref<16384x128xf32, #tpu.memory_space<hbm>> -> memref<32x128xf32, #tpu.memory_space<hbm>>
    %dma_start3A_246 = arith.constant 0 : i32
    %dma_start3A_247 = arith.constant 0 : i32
    %dma_start3A_248 = tpu.memref_slice %arg6[%dma_start3A_237, %dma_start3A_246, %dma_start3A_247] : memref<16x32x128xf32, #tpu.memory_space<vmem>> -> memref<1x32x128xf32, #tpu.memory_space<vmem>>
    %dma_start3A_249 = tpu.memref_squeeze %dma_start3A_248 : memref<1x32x128xf32, #tpu.memory_space<vmem>> -> memref<32x128xf32, #tpu.memory_space<vmem>>
    tpu.enqueue_dma source(%dma_start3A_249 : memref<32x128xf32, #tpu.memory_space<vmem>>) target(%dma_start3A_245 : memref<32x128xf32, #tpu.memory_space<hbm>>) target_semaphore(%arg24 : memref<!tpu.dma_semaphore, #tpu.memory_space<semaphore_mem>>)
    %dma_wait3A_250 = arith.constant 3 : i32
    %dma_wait3A_251 = arith.constant 0 : i32
    %dma_wait3A_252 = arith.constant 0 : i32
    %dma_wait3A_253 = tpu.memref_slice %arg6[%dma_wait3A_250, %dma_wait3A_251, %dma_wait3A_252] : memref<16x32x128xf32, #tpu.memory_space<vmem>> -> memref<1x32x128xf32, #tpu.memory_space<vmem>>
    %dma_wait3A_254 = tpu.memref_squeeze %dma_wait3A_253 : memref<1x32x128xf32, #tpu.memory_space<vmem>> -> memref<32x128xf32, #tpu.memory_space<vmem>>
    %dma_wait3A_255 = arith.constant 96 : i32
    %dma_wait3A_256 = tpu.memref_slice %arg5[%dma_wait3A_255] : memref<512xi32, #tpu.memory_space<vmem>> -> memref<32xi32, #tpu.memory_space<vmem>>
    %dma_wait3A_257 = arith.constant 0 : i32
    %dma_wait3A_258 = arith.constant 0 : i32
    %dma_wait3A_259 = tpu.memref_slice %arg7[%dma_wait3A_257, %dma_wait3A_258] : memref<1024x128xf32, #tpu.memory_space<vmem_shared>> -> memref<1024x128xf32, #tpu.memory_space<vmem_shared>>
    tpu.wait_indirect_dma semaphore(%arg11 : memref<!tpu.dma_semaphore, #tpu.memory_space<semaphore_mem>>) src(%dma_wait3A_259 : memref<1024x128xf32, #tpu.memory_space<vmem_shared>>) dst(%dma_wait3A_254 : memref<32x128xf32, #tpu.memory_space<vmem>>)
    %add3A_260 = arith.constant 96 : i32
    %add3A_261 = arith.addi %mul3A_2, %add3A_260 : i32
    %dma_start3A_262 = arith.constant 3 : i32
    %dma_start3A_263 = arith.constant 0 : i32
    %dma_start3A_264 = arith.constant 0 : i32
    %dma_start3A_265 = tpu.memref_slice %arg6[%dma_start3A_262, %dma_start3A_263, %dma_start3A_264] : memref<16x32x128xf32, #tpu.memory_space<vmem>> -> memref<1x32x128xf32, #tpu.memory_space<vmem>>
    %dma_start3A_266 = tpu.memref_squeeze %dma_start3A_265 : memref<1x32x128xf32, #tpu.memory_space<vmem>> -> memref<32x128xf32, #tpu.memory_space<vmem>>
    %dma_start3A_267 = arith.constant 0 : i32
    %dma_start3A_268 = tpu.memref_slice %arg4[%add3A_261, %dma_start3A_267] : memref<16384x128xf32, #tpu.memory_space<hbm>> -> memref<32x128xf32, #tpu.memory_space<hbm>>
    %dma_start3A_269 = arith.constant 0 : i32
    %dma_start3A_270 = tpu.memref_slice %arg4[%add3A_261, %dma_start3A_269] : memref<16384x128xf32, #tpu.memory_space<hbm>> -> memref<32x128xf32, #tpu.memory_space<hbm>>
    %dma_start3A_271 = arith.constant 0 : i32
    %dma_start3A_272 = arith.constant 0 : i32
    %dma_start3A_273 = tpu.memref_slice %arg6[%dma_start3A_262, %dma_start3A_271, %dma_start3A_272] : memref<16x32x128xf32, #tpu.memory_space<vmem>> -> memref<1x32x128xf32, #tpu.memory_space<vmem>>
    %dma_start3A_274 = tpu.memref_squeeze %dma_start3A_273 : memref<1x32x128xf32, #tpu.memory_space<vmem>> -> memref<32x128xf32, #tpu.memory_space<vmem>>
    tpu.enqueue_dma source(%dma_start3A_274 : memref<32x128xf32, #tpu.memory_space<vmem>>) target(%dma_start3A_270 : memref<32x128xf32, #tpu.memory_space<hbm>>) target_semaphore(%arg24 : memref<!tpu.dma_semaphore, #tpu.memory_space<semaphore_mem>>)
    %dma_wait3A_275 = arith.constant 4 : i32
    %dma_wait3A_276 = arith.constant 0 : i32
    %dma_wait3A_277 = arith.constant 0 : i32
    %dma_wait3A_278 = tpu.memref_slice %arg6[%dma_wait3A_275, %dma_wait3A_276, %dma_wait3A_277] : memref<16x32x128xf32, #tpu.memory_space<vmem>> -> memref<1x32x128xf32, #tpu.memory_space<vmem>>
    %dma_wait3A_279 = tpu.memref_squeeze %dma_wait3A_278 : memref<1x32x128xf32, #tpu.memory_space<vmem>> -> memref<32x128xf32, #tpu.memory_space<vmem>>
    %dma_wait3A_280 = arith.constant 128 : i32
    %dma_wait3A_281 = tpu.memref_slice %arg5[%dma_wait3A_280] : memref<512xi32, #tpu.memory_space<vmem>> -> memref<32xi32, #tpu.memory_space<vmem>>
    %dma_wait3A_282 = arith.constant 0 : i32
    %dma_wait3A_283 = arith.constant 0 : i32
    %dma_wait3A_284 = tpu.memref_slice %arg7[%dma_wait3A_282, %dma_wait3A_283] : memref<1024x128xf32, #tpu.memory_space<vmem_shared>> -> memref<1024x128xf32, #tpu.memory_space<vmem_shared>>
    tpu.wait_indirect_dma semaphore(%arg12 : memref<!tpu.dma_semaphore, #tpu.memory_space<semaphore_mem>>) src(%dma_wait3A_284 : memref<1024x128xf32, #tpu.memory_space<vmem_shared>>) dst(%dma_wait3A_279 : memref<32x128xf32, #tpu.memory_space<vmem>>)
    %add3A_285 = arith.constant 128 : i32
    %add3A_286 = arith.addi %mul3A_2, %add3A_285 : i32
    %dma_start3A_287 = arith.constant 4 : i32
    %dma_start3A_288 = arith.constant 0 : i32
    %dma_start3A_289 = arith.constant 0 : i32
    %dma_start3A_290 = tpu.memref_slice %arg6[%dma_start3A_287, %dma_start3A_288, %dma_start3A_289] : memref<16x32x128xf32, #tpu.memory_space<vmem>> -> memref<1x32x128xf32, #tpu.memory_space<vmem>>
    %dma_start3A_291 = tpu.memref_squeeze %dma_start3A_290 : memref<1x32x128xf32, #tpu.memory_space<vmem>> -> memref<32x128xf32, #tpu.memory_space<vmem>>
    %dma_start3A_292 = arith.constant 0 : i32
    %dma_start3A_293 = tpu.memref_slice %arg4[%add3A_286, %dma_start3A_292] : memref<16384x128xf32, #tpu.memory_space<hbm>> -> memref<32x128xf32, #tpu.memory_space<hbm>>
    %dma_start3A_294 = arith.constant 0 : i32
    %dma_start3A_295 = tpu.memref_slice %arg4[%add3A_286, %dma_start3A_294] : memref<16384x128xf32, #tpu.memory_space<hbm>> -> memref<32x128xf32, #tpu.memory_space<hbm>>
    %dma_start3A_296 = arith.constant 0 : i32
    %dma_start3A_297 = arith.constant 0 : i32
    %dma_start3A_298 = tpu.memref_slice %arg6[%dma_start3A_287, %dma_start3A_296, %dma_start3A_297] : memref<16x32x128xf32, #tpu.memory_space<vmem>> -> memref<1x32x128xf32, #tpu.memory_space<vmem>>
    %dma_start3A_299 = tpu.memref_squeeze %dma_start3A_298 : memref<1x32x128xf32, #tpu.memory_space<vmem>> -> memref<32x128xf32, #tpu.memory_space<vmem>>
    tpu.enqueue_dma source(%dma_start3A_299 : memref<32x128xf32, #tpu.memory_space<vmem>>) target(%dma_start3A_295 : memref<32x128xf32, #tpu.memory_space<hbm>>) target_semaphore(%arg24 : memref<!tpu.dma_semaphore, #tpu.memory_space<semaphore_mem>>)
    %dma_wait3A_300 = arith.constant 5 : i32
    %dma_wait3A_301 = arith.constant 0 : i32
    %dma_wait3A_302 = arith.constant 0 : i32
    %dma_wait3A_303 = tpu.memref_slice %arg6[%dma_wait3A_300, %dma_wait3A_301, %dma_wait3A_302] : memref<16x32x128xf32, #tpu.memory_space<vmem>> -> memref<1x32x128xf32, #tpu.memory_space<vmem>>
    %dma_wait3A_304 = tpu.memref_squeeze %dma_wait3A_303 : memref<1x32x128xf32, #tpu.memory_space<vmem>> -> memref<32x128xf32, #tpu.memory_space<vmem>>
    %dma_wait3A_305 = arith.constant 160 : i32
    %dma_wait3A_306 = tpu.memref_slice %arg5[%dma_wait3A_305] : memref<512xi32, #tpu.memory_space<vmem>> -> memref<32xi32, #tpu.memory_space<vmem>>
    %dma_wait3A_307 = arith.constant 0 : i32
    %dma_wait3A_308 = arith.constant 0 : i32
    %dma_wait3A_309 = tpu.memref_slice %arg7[%dma_wait3A_307, %dma_wait3A_308] : memref<1024x128xf32, #tpu.memory_space<vmem_shared>> -> memref<1024x128xf32, #tpu.memory_space<vmem_shared>>
    tpu.wait_indirect_dma semaphore(%arg13 : memref<!tpu.dma_semaphore, #tpu.memory_space<semaphore_mem>>) src(%dma_wait3A_309 : memref<1024x128xf32, #tpu.memory_space<vmem_shared>>) dst(%dma_wait3A_304 : memref<32x128xf32, #tpu.memory_space<vmem>>)
    %add3A_310 = arith.constant 160 : i32
    %add3A_311 = arith.addi %mul3A_2, %add3A_310 : i32
    %dma_start3A_312 = arith.constant 5 : i32
    %dma_start3A_313 = arith.constant 0 : i32
    %dma_start3A_314 = arith.constant 0 : i32
    %dma_start3A_315 = tpu.memref_slice %arg6[%dma_start3A_312, %dma_start3A_313, %dma_start3A_314] : memref<16x32x128xf32, #tpu.memory_space<vmem>> -> memref<1x32x128xf32, #tpu.memory_space<vmem>>
    %dma_start3A_316 = tpu.memref_squeeze %dma_start3A_315 : memref<1x32x128xf32, #tpu.memory_space<vmem>> -> memref<32x128xf32, #tpu.memory_space<vmem>>
    %dma_start3A_317 = arith.constant 0 : i32
    %dma_start3A_318 = tpu.memref_slice %arg4[%add3A_311, %dma_start3A_317] : memref<16384x128xf32, #tpu.memory_space<hbm>> -> memref<32x128xf32, #tpu.memory_space<hbm>>
    %dma_start3A_319 = arith.constant 0 : i32
    %dma_start3A_320 = tpu.memref_slice %arg4[%add3A_311, %dma_start3A_319] : memref<16384x128xf32, #tpu.memory_space<hbm>> -> memref<32x128xf32, #tpu.memory_space<hbm>>
    %dma_start3A_321 = arith.constant 0 : i32
    %dma_start3A_322 = arith.constant 0 : i32
    %dma_start3A_323 = tpu.memref_slice %arg6[%dma_start3A_312, %dma_start3A_321, %dma_start3A_322] : memref<16x32x128xf32, #tpu.memory_space<vmem>> -> memref<1x32x128xf32, #tpu.memory_space<vmem>>
    %dma_start3A_324 = tpu.memref_squeeze %dma_start3A_323 : memref<1x32x128xf32, #tpu.memory_space<vmem>> -> memref<32x128xf32, #tpu.memory_space<vmem>>
    tpu.enqueue_dma source(%dma_start3A_324 : memref<32x128xf32, #tpu.memory_space<vmem>>) target(%dma_start3A_320 : memref<32x128xf32, #tpu.memory_space<hbm>>) target_semaphore(%arg24 : memref<!tpu.dma_semaphore, #tpu.memory_space<semaphore_mem>>)
    %dma_wait3A_325 = arith.constant 6 : i32
    %dma_wait3A_326 = arith.constant 0 : i32
    %dma_wait3A_327 = arith.constant 0 : i32
    %dma_wait3A_328 = tpu.memref_slice %arg6[%dma_wait3A_325, %dma_wait3A_326, %dma_wait3A_327] : memref<16x32x128xf32, #tpu.memory_space<vmem>> -> memref<1x32x128xf32, #tpu.memory_space<vmem>>
    %dma_wait3A_329 = tpu.memref_squeeze %dma_wait3A_328 : memref<1x32x128xf32, #tpu.memory_space<vmem>> -> memref<32x128xf32, #tpu.memory_space<vmem>>
    %dma_wait3A_330 = arith.constant 192 : i32
    %dma_wait3A_331 = tpu.memref_slice %arg5[%dma_wait3A_330] : memref<512xi32, #tpu.memory_space<vmem>> -> memref<32xi32, #tpu.memory_space<vmem>>
    %dma_wait3A_332 = arith.constant 0 : i32
    %dma_wait3A_333 = arith.constant 0 : i32
    %dma_wait3A_334 = tpu.memref_slice %arg7[%dma_wait3A_332, %dma_wait3A_333] : memref<1024x128xf32, #tpu.memory_space<vmem_shared>> -> memref<1024x128xf32, #tpu.memory_space<vmem_shared>>
    tpu.wait_indirect_dma semaphore(%arg14 : memref<!tpu.dma_semaphore, #tpu.memory_space<semaphore_mem>>) src(%dma_wait3A_334 : memref<1024x128xf32, #tpu.memory_space<vmem_shared>>) dst(%dma_wait3A_329 : memref<32x128xf32, #tpu.memory_space<vmem>>)
    %add3A_335 = arith.constant 192 : i32
    %add3A_336 = arith.addi %mul3A_2, %add3A_335 : i32
    %dma_start3A_337 = arith.constant 6 : i32
    %dma_start3A_338 = arith.constant 0 : i32
    %dma_start3A_339 = arith.constant 0 : i32
    %dma_start3A_340 = tpu.memref_slice %arg6[%dma_start3A_337, %dma_start3A_338, %dma_start3A_339] : memref<16x32x128xf32, #tpu.memory_space<vmem>> -> memref<1x32x128xf32, #tpu.memory_space<vmem>>
    %dma_start3A_341 = tpu.memref_squeeze %dma_start3A_340 : memref<1x32x128xf32, #tpu.memory_space<vmem>> -> memref<32x128xf32, #tpu.memory_space<vmem>>
    %dma_start3A_342 = arith.constant 0 : i32
    %dma_start3A_343 = tpu.memref_slice %arg4[%add3A_336, %dma_start3A_342] : memref<16384x128xf32, #tpu.memory_space<hbm>> -> memref<32x128xf32, #tpu.memory_space<hbm>>
    %dma_start3A_344 = arith.constant 0 : i32
    %dma_start3A_345 = tpu.memref_slice %arg4[%add3A_336, %dma_start3A_344] : memref<16384x128xf32, #tpu.memory_space<hbm>> -> memref<32x128xf32, #tpu.memory_space<hbm>>
    %dma_start3A_346 = arith.constant 0 : i32
    %dma_start3A_347 = arith.constant 0 : i32
    %dma_start3A_348 = tpu.memref_slice %arg6[%dma_start3A_337, %dma_start3A_346, %dma_start3A_347] : memref<16x32x128xf32, #tpu.memory_space<vmem>> -> memref<1x32x128xf32, #tpu.memory_space<vmem>>
    %dma_start3A_349 = tpu.memref_squeeze %dma_start3A_348 : memref<1x32x128xf32, #tpu.memory_space<vmem>> -> memref<32x128xf32, #tpu.memory_space<vmem>>
    tpu.enqueue_dma source(%dma_start3A_349 : memref<32x128xf32, #tpu.memory_space<vmem>>) target(%dma_start3A_345 : memref<32x128xf32, #tpu.memory_space<hbm>>) target_semaphore(%arg24 : memref<!tpu.dma_semaphore, #tpu.memory_space<semaphore_mem>>)
    %dma_wait3A_350 = arith.constant 7 : i32
    %dma_wait3A_351 = arith.constant 0 : i32
    %dma_wait3A_352 = arith.constant 0 : i32
    %dma_wait3A_353 = tpu.memref_slice %arg6[%dma_wait3A_350, %dma_wait3A_351, %dma_wait3A_352] : memref<16x32x128xf32, #tpu.memory_space<vmem>> -> memref<1x32x128xf32, #tpu.memory_space<vmem>>
    %dma_wait3A_354 = tpu.memref_squeeze %dma_wait3A_353 : memref<1x32x128xf32, #tpu.memory_space<vmem>> -> memref<32x128xf32, #tpu.memory_space<vmem>>
    %dma_wait3A_355 = arith.constant 224 : i32
    %dma_wait3A_356 = tpu.memref_slice %arg5[%dma_wait3A_355] : memref<512xi32, #tpu.memory_space<vmem>> -> memref<32xi32, #tpu.memory_space<vmem>>
    %dma_wait3A_357 = arith.constant 0 : i32
    %dma_wait3A_358 = arith.constant 0 : i32
    %dma_wait3A_359 = tpu.memref_slice %arg7[%dma_wait3A_357, %dma_wait3A_358] : memref<1024x128xf32, #tpu.memory_space<vmem_shared>> -> memref<1024x128xf32, #tpu.memory_space<vmem_shared>>
    tpu.wait_indirect_dma semaphore(%arg15 : memref<!tpu.dma_semaphore, #tpu.memory_space<semaphore_mem>>) src(%dma_wait3A_359 : memref<1024x128xf32, #tpu.memory_space<vmem_shared>>) dst(%dma_wait3A_354 : memref<32x128xf32, #tpu.memory_space<vmem>>)
    %add3A_360 = arith.constant 224 : i32
    %add3A_361 = arith.addi %mul3A_2, %add3A_360 : i32
    %dma_start3A_362 = arith.constant 7 : i32
    %dma_start3A_363 = arith.constant 0 : i32
    %dma_start3A_364 = arith.constant 0 : i32
    %dma_start3A_365 = tpu.memref_slice %arg6[%dma_start3A_362, %dma_start3A_363, %dma_start3A_364] : memref<16x32x128xf32, #tpu.memory_space<vmem>> -> memref<1x32x128xf32, #tpu.memory_space<vmem>>
    %dma_start3A_366 = tpu.memref_squeeze %dma_start3A_365 : memref<1x32x128xf32, #tpu.memory_space<vmem>> -> memref<32x128xf32, #tpu.memory_space<vmem>>
    %dma_start3A_367 = arith.constant 0 : i32
    %dma_start3A_368 = tpu.memref_slice %arg4[%add3A_361, %dma_start3A_367] : memref<16384x128xf32, #tpu.memory_space<hbm>> -> memref<32x128xf32, #tpu.memory_space<hbm>>
    %dma_start3A_369 = arith.constant 0 : i32
    %dma_start3A_370 = tpu.memref_slice %arg4[%add3A_361, %dma_start3A_369] : memref<16384x128xf32, #tpu.memory_space<hbm>> -> memref<32x128xf32, #tpu.memory_space<hbm>>
    %dma_start3A_371 = arith.constant 0 : i32
    %dma_start3A_372 = arith.constant 0 : i32
    %dma_start3A_373 = tpu.memref_slice %arg6[%dma_start3A_362, %dma_start3A_371, %dma_start3A_372] : memref<16x32x128xf32, #tpu.memory_space<vmem>> -> memref<1x32x128xf32, #tpu.memory_space<vmem>>
    %dma_start3A_374 = tpu.memref_squeeze %dma_start3A_373 : memref<1x32x128xf32, #tpu.memory_space<vmem>> -> memref<32x128xf32, #tpu.memory_space<vmem>>
    tpu.enqueue_dma source(%dma_start3A_374 : memref<32x128xf32, #tpu.memory_space<vmem>>) target(%dma_start3A_370 : memref<32x128xf32, #tpu.memory_space<hbm>>) target_semaphore(%arg24 : memref<!tpu.dma_semaphore, #tpu.memory_space<semaphore_mem>>)
    %dma_wait3A_375 = arith.constant 8 : i32
    %dma_wait3A_376 = arith.constant 0 : i32
    %dma_wait3A_377 = arith.constant 0 : i32
    %dma_wait3A_378 = tpu.memref_slice %arg6[%dma_wait3A_375, %dma_wait3A_376, %dma_wait3A_377] : memref<16x32x128xf32, #tpu.memory_space<vmem>> -> memref<1x32x128xf32, #tpu.memory_space<vmem>>
    %dma_wait3A_379 = tpu.memref_squeeze %dma_wait3A_378 : memref<1x32x128xf32, #tpu.memory_space<vmem>> -> memref<32x128xf32, #tpu.memory_space<vmem>>
    %dma_wait3A_380 = arith.constant 256 : i32
    %dma_wait3A_381 = tpu.memref_slice %arg5[%dma_wait3A_380] : memref<512xi32, #tpu.memory_space<vmem>> -> memref<32xi32, #tpu.memory_space<vmem>>
    %dma_wait3A_382 = arith.constant 0 : i32
    %dma_wait3A_383 = arith.constant 0 : i32
    %dma_wait3A_384 = tpu.memref_slice %arg7[%dma_wait3A_382, %dma_wait3A_383] : memref<1024x128xf32, #tpu.memory_space<vmem_shared>> -> memref<1024x128xf32, #tpu.memory_space<vmem_shared>>
    tpu.wait_indirect_dma semaphore(%arg16 : memref<!tpu.dma_semaphore, #tpu.memory_space<semaphore_mem>>) src(%dma_wait3A_384 : memref<1024x128xf32, #tpu.memory_space<vmem_shared>>) dst(%dma_wait3A_379 : memref<32x128xf32, #tpu.memory_space<vmem>>)
    %add3A_385 = arith.constant 256 : i32
    %add3A_386 = arith.addi %mul3A_2, %add3A_385 : i32
    %dma_start3A_387 = arith.constant 8 : i32
    %dma_start3A_388 = arith.constant 0 : i32
    %dma_start3A_389 = arith.constant 0 : i32
    %dma_start3A_390 = tpu.memref_slice %arg6[%dma_start3A_387, %dma_start3A_388, %dma_start3A_389] : memref<16x32x128xf32, #tpu.memory_space<vmem>> -> memref<1x32x128xf32, #tpu.memory_space<vmem>>
    %dma_start3A_391 = tpu.memref_squeeze %dma_start3A_390 : memref<1x32x128xf32, #tpu.memory_space<vmem>> -> memref<32x128xf32, #tpu.memory_space<vmem>>
    %dma_start3A_392 = arith.constant 0 : i32
    %dma_start3A_393 = tpu.memref_slice %arg4[%add3A_386, %dma_start3A_392] : memref<16384x128xf32, #tpu.memory_space<hbm>> -> memref<32x128xf32, #tpu.memory_space<hbm>>
    %dma_start3A_394 = arith.constant 0 : i32
    %dma_start3A_395 = tpu.memref_slice %arg4[%add3A_386, %dma_start3A_394] : memref<16384x128xf32, #tpu.memory_space<hbm>> -> memref<32x128xf32, #tpu.memory_space<hbm>>
    %dma_start3A_396 = arith.constant 0 : i32
    %dma_start3A_397 = arith.constant 0 : i32
    %dma_start3A_398 = tpu.memref_slice %arg6[%dma_start3A_387, %dma_start3A_396, %dma_start3A_397] : memref<16x32x128xf32, #tpu.memory_space<vmem>> -> memref<1x32x128xf32, #tpu.memory_space<vmem>>
    %dma_start3A_399 = tpu.memref_squeeze %dma_start3A_398 : memref<1x32x128xf32, #tpu.memory_space<vmem>> -> memref<32x128xf32, #tpu.memory_space<vmem>>
    tpu.enqueue_dma source(%dma_start3A_399 : memref<32x128xf32, #tpu.memory_space<vmem>>) target(%dma_start3A_395 : memref<32x128xf32, #tpu.memory_space<hbm>>) target_semaphore(%arg24 : memref<!tpu.dma_semaphore, #tpu.memory_space<semaphore_mem>>)
    %dma_wait3A_400 = arith.constant 9 : i32
    %dma_wait3A_401 = arith.constant 0 : i32
    %dma_wait3A_402 = arith.constant 0 : i32
    %dma_wait3A_403 = tpu.memref_slice %arg6[%dma_wait3A_400, %dma_wait3A_401, %dma_wait3A_402] : memref<16x32x128xf32, #tpu.memory_space<vmem>> -> memref<1x32x128xf32, #tpu.memory_space<vmem>>
    %dma_wait3A_404 = tpu.memref_squeeze %dma_wait3A_403 : memref<1x32x128xf32, #tpu.memory_space<vmem>> -> memref<32x128xf32, #tpu.memory_space<vmem>>
    %dma_wait3A_405 = arith.constant 288 : i32
    %dma_wait3A_406 = tpu.memref_slice %arg5[%dma_wait3A_405] : memref<512xi32, #tpu.memory_space<vmem>> -> memref<32xi32, #tpu.memory_space<vmem>>
    %dma_wait3A_407 = arith.constant 0 : i32
    %dma_wait3A_408 = arith.constant 0 : i32
    %dma_wait3A_409 = tpu.memref_slice %arg7[%dma_wait3A_407, %dma_wait3A_408] : memref<1024x128xf32, #tpu.memory_space<vmem_shared>> -> memref<1024x128xf32, #tpu.memory_space<vmem_shared>>
    tpu.wait_indirect_dma semaphore(%arg17 : memref<!tpu.dma_semaphore, #tpu.memory_space<semaphore_mem>>) src(%dma_wait3A_409 : memref<1024x128xf32, #tpu.memory_space<vmem_shared>>) dst(%dma_wait3A_404 : memref<32x128xf32, #tpu.memory_space<vmem>>)
    %add3A_410 = arith.constant 288 : i32
    %add3A_411 = arith.addi %mul3A_2, %add3A_410 : i32
    %dma_start3A_412 = arith.constant 9 : i32
    %dma_start3A_413 = arith.constant 0 : i32
    %dma_start3A_414 = arith.constant 0 : i32
    %dma_start3A_415 = tpu.memref_slice %arg6[%dma_start3A_412, %dma_start3A_413, %dma_start3A_414] : memref<16x32x128xf32, #tpu.memory_space<vmem>> -> memref<1x32x128xf32, #tpu.memory_space<vmem>>
    %dma_start3A_416 = tpu.memref_squeeze %dma_start3A_415 : memref<1x32x128xf32, #tpu.memory_space<vmem>> -> memref<32x128xf32, #tpu.memory_space<vmem>>
    %dma_start3A_417 = arith.constant 0 : i32
    %dma_start3A_418 = tpu.memref_slice %arg4[%add3A_411, %dma_start3A_417] : memref<16384x128xf32, #tpu.memory_space<hbm>> -> memref<32x128xf32, #tpu.memory_space<hbm>>
    %dma_start3A_419 = arith.constant 0 : i32
    %dma_start3A_420 = tpu.memref_slice %arg4[%add3A_411, %dma_start3A_419] : memref<16384x128xf32, #tpu.memory_space<hbm>> -> memref<32x128xf32, #tpu.memory_space<hbm>>
    %dma_start3A_421 = arith.constant 0 : i32
    %dma_start3A_422 = arith.constant 0 : i32
    %dma_start3A_423 = tpu.memref_slice %arg6[%dma_start3A_412, %dma_start3A_421, %dma_start3A_422] : memref<16x32x128xf32, #tpu.memory_space<vmem>> -> memref<1x32x128xf32, #tpu.memory_space<vmem>>
    %dma_start3A_424 = tpu.memref_squeeze %dma_start3A_423 : memref<1x32x128xf32, #tpu.memory_space<vmem>> -> memref<32x128xf32, #tpu.memory_space<vmem>>
    tpu.enqueue_dma source(%dma_start3A_424 : memref<32x128xf32, #tpu.memory_space<vmem>>) target(%dma_start3A_420 : memref<32x128xf32, #tpu.memory_space<hbm>>) target_semaphore(%arg24 : memref<!tpu.dma_semaphore, #tpu.memory_space<semaphore_mem>>)
    %dma_wait3A_425 = arith.constant 10 : i32
    %dma_wait3A_426 = arith.constant 0 : i32
    %dma_wait3A_427 = arith.constant 0 : i32
    %dma_wait3A_428 = tpu.memref_slice %arg6[%dma_wait3A_425, %dma_wait3A_426, %dma_wait3A_427] : memref<16x32x128xf32, #tpu.memory_space<vmem>> -> memref<1x32x128xf32, #tpu.memory_space<vmem>>
    %dma_wait3A_429 = tpu.memref_squeeze %dma_wait3A_428 : memref<1x32x128xf32, #tpu.memory_space<vmem>> -> memref<32x128xf32, #tpu.memory_space<vmem>>
    %dma_wait3A_430 = arith.constant 320 : i32
    %dma_wait3A_431 = tpu.memref_slice %arg5[%dma_wait3A_430] : memref<512xi32, #tpu.memory_space<vmem>> -> memref<32xi32, #tpu.memory_space<vmem>>
    %dma_wait3A_432 = arith.constant 0 : i32
    %dma_wait3A_433 = arith.constant 0 : i32
    %dma_wait3A_434 = tpu.memref_slice %arg7[%dma_wait3A_432, %dma_wait3A_433] : memref<1024x128xf32, #tpu.memory_space<vmem_shared>> -> memref<1024x128xf32, #tpu.memory_space<vmem_shared>>
    tpu.wait_indirect_dma semaphore(%arg18 : memref<!tpu.dma_semaphore, #tpu.memory_space<semaphore_mem>>) src(%dma_wait3A_434 : memref<1024x128xf32, #tpu.memory_space<vmem_shared>>) dst(%dma_wait3A_429 : memref<32x128xf32, #tpu.memory_space<vmem>>)
    %add3A_435 = arith.constant 320 : i32
    %add3A_436 = arith.addi %mul3A_2, %add3A_435 : i32
    %dma_start3A_437 = arith.constant 10 : i32
    %dma_start3A_438 = arith.constant 0 : i32
    %dma_start3A_439 = arith.constant 0 : i32
    %dma_start3A_440 = tpu.memref_slice %arg6[%dma_start3A_437, %dma_start3A_438, %dma_start3A_439] : memref<16x32x128xf32, #tpu.memory_space<vmem>> -> memref<1x32x128xf32, #tpu.memory_space<vmem>>
    %dma_start3A_441 = tpu.memref_squeeze %dma_start3A_440 : memref<1x32x128xf32, #tpu.memory_space<vmem>> -> memref<32x128xf32, #tpu.memory_space<vmem>>
    %dma_start3A_442 = arith.constant 0 : i32
    %dma_start3A_443 = tpu.memref_slice %arg4[%add3A_436, %dma_start3A_442] : memref<16384x128xf32, #tpu.memory_space<hbm>> -> memref<32x128xf32, #tpu.memory_space<hbm>>
    %dma_start3A_444 = arith.constant 0 : i32
    %dma_start3A_445 = tpu.memref_slice %arg4[%add3A_436, %dma_start3A_444] : memref<16384x128xf32, #tpu.memory_space<hbm>> -> memref<32x128xf32, #tpu.memory_space<hbm>>
    %dma_start3A_446 = arith.constant 0 : i32
    %dma_start3A_447 = arith.constant 0 : i32
    %dma_start3A_448 = tpu.memref_slice %arg6[%dma_start3A_437, %dma_start3A_446, %dma_start3A_447] : memref<16x32x128xf32, #tpu.memory_space<vmem>> -> memref<1x32x128xf32, #tpu.memory_space<vmem>>
    %dma_start3A_449 = tpu.memref_squeeze %dma_start3A_448 : memref<1x32x128xf32, #tpu.memory_space<vmem>> -> memref<32x128xf32, #tpu.memory_space<vmem>>
    tpu.enqueue_dma source(%dma_start3A_449 : memref<32x128xf32, #tpu.memory_space<vmem>>) target(%dma_start3A_445 : memref<32x128xf32, #tpu.memory_space<hbm>>) target_semaphore(%arg24 : memref<!tpu.dma_semaphore, #tpu.memory_space<semaphore_mem>>)
    %dma_wait3A_450 = arith.constant 11 : i32
    %dma_wait3A_451 = arith.constant 0 : i32
    %dma_wait3A_452 = arith.constant 0 : i32
    %dma_wait3A_453 = tpu.memref_slice %arg6[%dma_wait3A_450, %dma_wait3A_451, %dma_wait3A_452] : memref<16x32x128xf32, #tpu.memory_space<vmem>> -> memref<1x32x128xf32, #tpu.memory_space<vmem>>
    %dma_wait3A_454 = tpu.memref_squeeze %dma_wait3A_453 : memref<1x32x128xf32, #tpu.memory_space<vmem>> -> memref<32x128xf32, #tpu.memory_space<vmem>>
    %dma_wait3A_455 = arith.constant 352 : i32
    %dma_wait3A_456 = tpu.memref_slice %arg5[%dma_wait3A_455] : memref<512xi32, #tpu.memory_space<vmem>> -> memref<32xi32, #tpu.memory_space<vmem>>
    %dma_wait3A_457 = arith.constant 0 : i32
    %dma_wait3A_458 = arith.constant 0 : i32
    %dma_wait3A_459 = tpu.memref_slice %arg7[%dma_wait3A_457, %dma_wait3A_458] : memref<1024x128xf32, #tpu.memory_space<vmem_shared>> -> memref<1024x128xf32, #tpu.memory_space<vmem_shared>>
    tpu.wait_indirect_dma semaphore(%arg19 : memref<!tpu.dma_semaphore, #tpu.memory_space<semaphore_mem>>) src(%dma_wait3A_459 : memref<1024x128xf32, #tpu.memory_space<vmem_shared>>) dst(%dma_wait3A_454 : memref<32x128xf32, #tpu.memory_space<vmem>>)
    %add3A_460 = arith.constant 352 : i32
    %add3A_461 = arith.addi %mul3A_2, %add3A_460 : i32
    %dma_start3A_462 = arith.constant 11 : i32
    %dma_start3A_463 = arith.constant 0 : i32
    %dma_start3A_464 = arith.constant 0 : i32
    %dma_start3A_465 = tpu.memref_slice %arg6[%dma_start3A_462, %dma_start3A_463, %dma_start3A_464] : memref<16x32x128xf32, #tpu.memory_space<vmem>> -> memref<1x32x128xf32, #tpu.memory_space<vmem>>
    %dma_start3A_466 = tpu.memref_squeeze %dma_start3A_465 : memref<1x32x128xf32, #tpu.memory_space<vmem>> -> memref<32x128xf32, #tpu.memory_space<vmem>>
    %dma_start3A_467 = arith.constant 0 : i32
    %dma_start3A_468 = tpu.memref_slice %arg4[%add3A_461, %dma_start3A_467] : memref<16384x128xf32, #tpu.memory_space<hbm>> -> memref<32x128xf32, #tpu.memory_space<hbm>>
    %dma_start3A_469 = arith.constant 0 : i32
    %dma_start3A_470 = tpu.memref_slice %arg4[%add3A_461, %dma_start3A_469] : memref<16384x128xf32, #tpu.memory_space<hbm>> -> memref<32x128xf32, #tpu.memory_space<hbm>>
    %dma_start3A_471 = arith.constant 0 : i32
    %dma_start3A_472 = arith.constant 0 : i32
    %dma_start3A_473 = tpu.memref_slice %arg6[%dma_start3A_462, %dma_start3A_471, %dma_start3A_472] : memref<16x32x128xf32, #tpu.memory_space<vmem>> -> memref<1x32x128xf32, #tpu.memory_space<vmem>>
    %dma_start3A_474 = tpu.memref_squeeze %dma_start3A_473 : memref<1x32x128xf32, #tpu.memory_space<vmem>> -> memref<32x128xf32, #tpu.memory_space<vmem>>
    tpu.enqueue_dma source(%dma_start3A_474 : memref<32x128xf32, #tpu.memory_space<vmem>>) target(%dma_start3A_470 : memref<32x128xf32, #tpu.memory_space<hbm>>) target_semaphore(%arg24 : memref<!tpu.dma_semaphore, #tpu.memory_space<semaphore_mem>>)
    %dma_wait3A_475 = arith.constant 12 : i32
    %dma_wait3A_476 = arith.constant 0 : i32
    %dma_wait3A_477 = arith.constant 0 : i32
    %dma_wait3A_478 = tpu.memref_slice %arg6[%dma_wait3A_475, %dma_wait3A_476, %dma_wait3A_477] : memref<16x32x128xf32, #tpu.memory_space<vmem>> -> memref<1x32x128xf32, #tpu.memory_space<vmem>>
    %dma_wait3A_479 = tpu.memref_squeeze %dma_wait3A_478 : memref<1x32x128xf32, #tpu.memory_space<vmem>> -> memref<32x128xf32, #tpu.memory_space<vmem>>
    %dma_wait3A_480 = arith.constant 384 : i32
    %dma_wait3A_481 = tpu.memref_slice %arg5[%dma_wait3A_480] : memref<512xi32, #tpu.memory_space<vmem>> -> memref<32xi32, #tpu.memory_space<vmem>>
    %dma_wait3A_482 = arith.constant 0 : i32
    %dma_wait3A_483 = arith.constant 0 : i32
    %dma_wait3A_484 = tpu.memref_slice %arg7[%dma_wait3A_482, %dma_wait3A_483] : memref<1024x128xf32, #tpu.memory_space<vmem_shared>> -> memref<1024x128xf32, #tpu.memory_space<vmem_shared>>
    tpu.wait_indirect_dma semaphore(%arg20 : memref<!tpu.dma_semaphore, #tpu.memory_space<semaphore_mem>>) src(%dma_wait3A_484 : memref<1024x128xf32, #tpu.memory_space<vmem_shared>>) dst(%dma_wait3A_479 : memref<32x128xf32, #tpu.memory_space<vmem>>)
    %add3A_485 = arith.constant 384 : i32
    %add3A_486 = arith.addi %mul3A_2, %add3A_485 : i32
    %dma_start3A_487 = arith.constant 12 : i32
    %dma_start3A_488 = arith.constant 0 : i32
    %dma_start3A_489 = arith.constant 0 : i32
    %dma_start3A_490 = tpu.memref_slice %arg6[%dma_start3A_487, %dma_start3A_488, %dma_start3A_489] : memref<16x32x128xf32, #tpu.memory_space<vmem>> -> memref<1x32x128xf32, #tpu.memory_space<vmem>>
    %dma_start3A_491 = tpu.memref_squeeze %dma_start3A_490 : memref<1x32x128xf32, #tpu.memory_space<vmem>> -> memref<32x128xf32, #tpu.memory_space<vmem>>
    %dma_start3A_492 = arith.constant 0 : i32
    %dma_start3A_493 = tpu.memref_slice %arg4[%add3A_486, %dma_start3A_492] : memref<16384x128xf32, #tpu.memory_space<hbm>> -> memref<32x128xf32, #tpu.memory_space<hbm>>
    %dma_start3A_494 = arith.constant 0 : i32
    %dma_start3A_495 = tpu.memref_slice %arg4[%add3A_486, %dma_start3A_494] : memref<16384x128xf32, #tpu.memory_space<hbm>> -> memref<32x128xf32, #tpu.memory_space<hbm>>
    %dma_start3A_496 = arith.constant 0 : i32
    %dma_start3A_497 = arith.constant 0 : i32
    %dma_start3A_498 = tpu.memref_slice %arg6[%dma_start3A_487, %dma_start3A_496, %dma_start3A_497] : memref<16x32x128xf32, #tpu.memory_space<vmem>> -> memref<1x32x128xf32, #tpu.memory_space<vmem>>
    %dma_start3A_499 = tpu.memref_squeeze %dma_start3A_498 : memref<1x32x128xf32, #tpu.memory_space<vmem>> -> memref<32x128xf32, #tpu.memory_space<vmem>>
    tpu.enqueue_dma source(%dma_start3A_499 : memref<32x128xf32, #tpu.memory_space<vmem>>) target(%dma_start3A_495 : memref<32x128xf32, #tpu.memory_space<hbm>>) target_semaphore(%arg24 : memref<!tpu.dma_semaphore, #tpu.memory_space<semaphore_mem>>)
    %dma_wait3A_500 = arith.constant 13 : i32
    %dma_wait3A_501 = arith.constant 0 : i32
    %dma_wait3A_502 = arith.constant 0 : i32
    %dma_wait3A_503 = tpu.memref_slice %arg6[%dma_wait3A_500, %dma_wait3A_501, %dma_wait3A_502] : memref<16x32x128xf32, #tpu.memory_space<vmem>> -> memref<1x32x128xf32, #tpu.memory_space<vmem>>
    %dma_wait3A_504 = tpu.memref_squeeze %dma_wait3A_503 : memref<1x32x128xf32, #tpu.memory_space<vmem>> -> memref<32x128xf32, #tpu.memory_space<vmem>>
    %dma_wait3A_505 = arith.constant 416 : i32
    %dma_wait3A_506 = tpu.memref_slice %arg5[%dma_wait3A_505] : memref<512xi32, #tpu.memory_space<vmem>> -> memref<32xi32, #tpu.memory_space<vmem>>
    %dma_wait3A_507 = arith.constant 0 : i32
    %dma_wait3A_508 = arith.constant 0 : i32
    %dma_wait3A_509 = tpu.memref_slice %arg7[%dma_wait3A_507, %dma_wait3A_508] : memref<1024x128xf32, #tpu.memory_space<vmem_shared>> -> memref<1024x128xf32, #tpu.memory_space<vmem_shared>>
    tpu.wait_indirect_dma semaphore(%arg21 : memref<!tpu.dma_semaphore, #tpu.memory_space<semaphore_mem>>) src(%dma_wait3A_509 : memref<1024x128xf32, #tpu.memory_space<vmem_shared>>) dst(%dma_wait3A_504 : memref<32x128xf32, #tpu.memory_space<vmem>>)
    %add3A_510 = arith.constant 416 : i32
    %add3A_511 = arith.addi %mul3A_2, %add3A_510 : i32
    %dma_start3A_512 = arith.constant 13 : i32
    %dma_start3A_513 = arith.constant 0 : i32
    %dma_start3A_514 = arith.constant 0 : i32
    %dma_start3A_515 = tpu.memref_slice %arg6[%dma_start3A_512, %dma_start3A_513, %dma_start3A_514] : memref<16x32x128xf32, #tpu.memory_space<vmem>> -> memref<1x32x128xf32, #tpu.memory_space<vmem>>
    %dma_start3A_516 = tpu.memref_squeeze %dma_start3A_515 : memref<1x32x128xf32, #tpu.memory_space<vmem>> -> memref<32x128xf32, #tpu.memory_space<vmem>>
    %dma_start3A_517 = arith.constant 0 : i32
    %dma_start3A_518 = tpu.memref_slice %arg4[%add3A_511, %dma_start3A_517] : memref<16384x128xf32, #tpu.memory_space<hbm>> -> memref<32x128xf32, #tpu.memory_space<hbm>>
    %dma_start3A_519 = arith.constant 0 : i32
    %dma_start3A_520 = tpu.memref_slice %arg4[%add3A_511, %dma_start3A_519] : memref<16384x128xf32, #tpu.memory_space<hbm>> -> memref<32x128xf32, #tpu.memory_space<hbm>>
    %dma_start3A_521 = arith.constant 0 : i32
    %dma_start3A_522 = arith.constant 0 : i32
    %dma_start3A_523 = tpu.memref_slice %arg6[%dma_start3A_512, %dma_start3A_521, %dma_start3A_522] : memref<16x32x128xf32, #tpu.memory_space<vmem>> -> memref<1x32x128xf32, #tpu.memory_space<vmem>>
    %dma_start3A_524 = tpu.memref_squeeze %dma_start3A_523 : memref<1x32x128xf32, #tpu.memory_space<vmem>> -> memref<32x128xf32, #tpu.memory_space<vmem>>
    tpu.enqueue_dma source(%dma_start3A_524 : memref<32x128xf32, #tpu.memory_space<vmem>>) target(%dma_start3A_520 : memref<32x128xf32, #tpu.memory_space<hbm>>) target_semaphore(%arg24 : memref<!tpu.dma_semaphore, #tpu.memory_space<semaphore_mem>>)
    %dma_wait3A_525 = arith.constant 14 : i32
    %dma_wait3A_526 = arith.constant 0 : i32
    %dma_wait3A_527 = arith.constant 0 : i32
    %dma_wait3A_528 = tpu.memref_slice %arg6[%dma_wait3A_525, %dma_wait3A_526, %dma_wait3A_527] : memref<16x32x128xf32, #tpu.memory_space<vmem>> -> memref<1x32x128xf32, #tpu.memory_space<vmem>>
    %dma_wait3A_529 = tpu.memref_squeeze %dma_wait3A_528 : memref<1x32x128xf32, #tpu.memory_space<vmem>> -> memref<32x128xf32, #tpu.memory_space<vmem>>
    %dma_wait3A_530 = arith.constant 448 : i32
    %dma_wait3A_531 = tpu.memref_slice %arg5[%dma_wait3A_530] : memref<512xi32, #tpu.memory_space<vmem>> -> memref<32xi32, #tpu.memory_space<vmem>>
    %dma_wait3A_532 = arith.constant 0 : i32
    %dma_wait3A_533 = arith.constant 0 : i32
    %dma_wait3A_534 = tpu.memref_slice %arg7[%dma_wait3A_532, %dma_wait3A_533] : memref<1024x128xf32, #tpu.memory_space<vmem_shared>> -> memref<1024x128xf32, #tpu.memory_space<vmem_shared>>
    tpu.wait_indirect_dma semaphore(%arg22 : memref<!tpu.dma_semaphore, #tpu.memory_space<semaphore_mem>>) src(%dma_wait3A_534 : memref<1024x128xf32, #tpu.memory_space<vmem_shared>>) dst(%dma_wait3A_529 : memref<32x128xf32, #tpu.memory_space<vmem>>)
    %add3A_535 = arith.constant 448 : i32
    %add3A_536 = arith.addi %mul3A_2, %add3A_535 : i32
    %dma_start3A_537 = arith.constant 14 : i32
    %dma_start3A_538 = arith.constant 0 : i32
    %dma_start3A_539 = arith.constant 0 : i32
    %dma_start3A_540 = tpu.memref_slice %arg6[%dma_start3A_537, %dma_start3A_538, %dma_start3A_539] : memref<16x32x128xf32, #tpu.memory_space<vmem>> -> memref<1x32x128xf32, #tpu.memory_space<vmem>>
    %dma_start3A_541 = tpu.memref_squeeze %dma_start3A_540 : memref<1x32x128xf32, #tpu.memory_space<vmem>> -> memref<32x128xf32, #tpu.memory_space<vmem>>
    %dma_start3A_542 = arith.constant 0 : i32
    %dma_start3A_543 = tpu.memref_slice %arg4[%add3A_536, %dma_start3A_542] : memref<16384x128xf32, #tpu.memory_space<hbm>> -> memref<32x128xf32, #tpu.memory_space<hbm>>
    %dma_start3A_544 = arith.constant 0 : i32
    %dma_start3A_545 = tpu.memref_slice %arg4[%add3A_536, %dma_start3A_544] : memref<16384x128xf32, #tpu.memory_space<hbm>> -> memref<32x128xf32, #tpu.memory_space<hbm>>
    %dma_start3A_546 = arith.constant 0 : i32
    %dma_start3A_547 = arith.constant 0 : i32
    %dma_start3A_548 = tpu.memref_slice %arg6[%dma_start3A_537, %dma_start3A_546, %dma_start3A_547] : memref<16x32x128xf32, #tpu.memory_space<vmem>> -> memref<1x32x128xf32, #tpu.memory_space<vmem>>
    %dma_start3A_549 = tpu.memref_squeeze %dma_start3A_548 : memref<1x32x128xf32, #tpu.memory_space<vmem>> -> memref<32x128xf32, #tpu.memory_space<vmem>>
    tpu.enqueue_dma source(%dma_start3A_549 : memref<32x128xf32, #tpu.memory_space<vmem>>) target(%dma_start3A_545 : memref<32x128xf32, #tpu.memory_space<hbm>>) target_semaphore(%arg24 : memref<!tpu.dma_semaphore, #tpu.memory_space<semaphore_mem>>)
    %dma_wait3A_550 = arith.constant 15 : i32
    %dma_wait3A_551 = arith.constant 0 : i32
    %dma_wait3A_552 = arith.constant 0 : i32
    %dma_wait3A_553 = tpu.memref_slice %arg6[%dma_wait3A_550, %dma_wait3A_551, %dma_wait3A_552] : memref<16x32x128xf32, #tpu.memory_space<vmem>> -> memref<1x32x128xf32, #tpu.memory_space<vmem>>
    %dma_wait3A_554 = tpu.memref_squeeze %dma_wait3A_553 : memref<1x32x128xf32, #tpu.memory_space<vmem>> -> memref<32x128xf32, #tpu.memory_space<vmem>>
    %dma_wait3A_555 = arith.constant 480 : i32
    %dma_wait3A_556 = tpu.memref_slice %arg5[%dma_wait3A_555] : memref<512xi32, #tpu.memory_space<vmem>> -> memref<32xi32, #tpu.memory_space<vmem>>
    %dma_wait3A_557 = arith.constant 0 : i32
    %dma_wait3A_558 = arith.constant 0 : i32
    %dma_wait3A_559 = tpu.memref_slice %arg7[%dma_wait3A_557, %dma_wait3A_558] : memref<1024x128xf32, #tpu.memory_space<vmem_shared>> -> memref<1024x128xf32, #tpu.memory_space<vmem_shared>>
    tpu.wait_indirect_dma semaphore(%arg23 : memref<!tpu.dma_semaphore, #tpu.memory_space<semaphore_mem>>) src(%dma_wait3A_559 : memref<1024x128xf32, #tpu.memory_space<vmem_shared>>) dst(%dma_wait3A_554 : memref<32x128xf32, #tpu.memory_space<vmem>>)
    %add3A_560 = arith.constant 480 : i32
    %add3A_561 = arith.addi %mul3A_2, %add3A_560 : i32
    %dma_start3A_562 = arith.constant 15 : i32
    %dma_start3A_563 = arith.constant 0 : i32
    %dma_start3A_564 = arith.constant 0 : i32
    %dma_start3A_565 = tpu.memref_slice %arg6[%dma_start3A_562, %dma_start3A_563, %dma_start3A_564] : memref<16x32x128xf32, #tpu.memory_space<vmem>> -> memref<1x32x128xf32, #tpu.memory_space<vmem>>
    %dma_start3A_566 = tpu.memref_squeeze %dma_start3A_565 : memref<1x32x128xf32, #tpu.memory_space<vmem>> -> memref<32x128xf32, #tpu.memory_space<vmem>>
    %dma_start3A_567 = arith.constant 0 : i32
    %dma_start3A_568 = tpu.memref_slice %arg4[%add3A_561, %dma_start3A_567] : memref<16384x128xf32, #tpu.memory_space<hbm>> -> memref<32x128xf32, #tpu.memory_space<hbm>>
    %dma_start3A_569 = arith.constant 0 : i32
    %dma_start3A_570 = tpu.memref_slice %arg4[%add3A_561, %dma_start3A_569] : memref<16384x128xf32, #tpu.memory_space<hbm>> -> memref<32x128xf32, #tpu.memory_space<hbm>>
    %dma_start3A_571 = arith.constant 0 : i32
    %dma_start3A_572 = arith.constant 0 : i32
    %dma_start3A_573 = tpu.memref_slice %arg6[%dma_start3A_562, %dma_start3A_571, %dma_start3A_572] : memref<16x32x128xf32, #tpu.memory_space<vmem>> -> memref<1x32x128xf32, #tpu.memory_space<vmem>>
    %dma_start3A_574 = tpu.memref_squeeze %dma_start3A_573 : memref<1x32x128xf32, #tpu.memory_space<vmem>> -> memref<32x128xf32, #tpu.memory_space<vmem>>
    tpu.enqueue_dma source(%dma_start3A_574 : memref<32x128xf32, #tpu.memory_space<vmem>>) target(%dma_start3A_570 : memref<32x128xf32, #tpu.memory_space<hbm>>) target_semaphore(%arg24 : memref<!tpu.dma_semaphore, #tpu.memory_space<semaphore_mem>>)
    %dma_wait3A_575 = arith.constant 0 : i32
    %dma_wait3A_576 = arith.constant 0 : i32
    %dma_wait3A_577 = arith.constant 0 : i32
    %dma_wait3A_578 = tpu.memref_slice %arg6[%dma_wait3A_575, %dma_wait3A_576, %dma_wait3A_577] : memref<16x32x128xf32, #tpu.memory_space<vmem>> -> memref<1x32x128xf32, #tpu.memory_space<vmem>>
    %dma_wait3A_579 = tpu.memref_squeeze %dma_wait3A_578 : memref<1x32x128xf32, #tpu.memory_space<vmem>> -> memref<32x128xf32, #tpu.memory_space<vmem>>
    %dma_wait3A_580 = arith.constant 0 : i32
    %dma_wait3A_581 = tpu.memref_slice %arg4[%add3A_186, %dma_wait3A_580] : memref<16384x128xf32, #tpu.memory_space<hbm>> -> memref<32x128xf32, #tpu.memory_space<hbm>>
    %dma_wait3A_582 = arith.constant 0 : i32
    %dma_wait3A_583 = tpu.memref_slice %arg4[%add3A_186, %dma_wait3A_582] : memref<16384x128xf32, #tpu.memory_space<hbm>> -> memref<32x128xf32, #tpu.memory_space<hbm>>
    %dma_wait3A_584 = arith.constant 0 : i32
    %dma_wait3A_585 = arith.constant 0 : i32
    %dma_wait3A_586 = tpu.memref_slice %arg6[%dma_wait3A_575, %dma_wait3A_584, %dma_wait3A_585] : memref<16x32x128xf32, #tpu.memory_space<vmem>> -> memref<1x32x128xf32, #tpu.memory_space<vmem>>
    %dma_wait3A_587 = tpu.memref_squeeze %dma_wait3A_586 : memref<1x32x128xf32, #tpu.memory_space<vmem>> -> memref<32x128xf32, #tpu.memory_space<vmem>>
    tpu.wait_dma2 semaphore(%arg24 : memref<!tpu.dma_semaphore, #tpu.memory_space<semaphore_mem>>) src(%dma_wait3A_587 : memref<32x128xf32, #tpu.memory_space<vmem>>) dst(%dma_wait3A_583 : memref<32x128xf32, #tpu.memory_space<hbm>>)
    %dma_wait3A_588 = arith.constant 1 : i32
    %dma_wait3A_589 = arith.constant 0 : i32
    %dma_wait3A_590 = arith.constant 0 : i32
    %dma_wait3A_591 = tpu.memref_slice %arg6[%dma_wait3A_588, %dma_wait3A_589, %dma_wait3A_590] : memref<16x32x128xf32, #tpu.memory_space<vmem>> -> memref<1x32x128xf32, #tpu.memory_space<vmem>>
    %dma_wait3A_592 = tpu.memref_squeeze %dma_wait3A_591 : memref<1x32x128xf32, #tpu.memory_space<vmem>> -> memref<32x128xf32, #tpu.memory_space<vmem>>
    %dma_wait3A_593 = arith.constant 0 : i32
    %dma_wait3A_594 = tpu.memref_slice %arg4[%add3A_211, %dma_wait3A_593] : memref<16384x128xf32, #tpu.memory_space<hbm>> -> memref<32x128xf32, #tpu.memory_space<hbm>>
    %dma_wait3A_595 = arith.constant 0 : i32
    %dma_wait3A_596 = tpu.memref_slice %arg4[%add3A_211, %dma_wait3A_595] : memref<16384x128xf32, #tpu.memory_space<hbm>> -> memref<32x128xf32, #tpu.memory_space<hbm>>
    %dma_wait3A_597 = arith.constant 0 : i32
    %dma_wait3A_598 = arith.constant 0 : i32
    %dma_wait3A_599 = tpu.memref_slice %arg6[%dma_wait3A_588, %dma_wait3A_597, %dma_wait3A_598] : memref<16x32x128xf32, #tpu.memory_space<vmem>> -> memref<1x32x128xf32, #tpu.memory_space<vmem>>
    %dma_wait3A_600 = tpu.memref_squeeze %dma_wait3A_599 : memref<1x32x128xf32, #tpu.memory_space<vmem>> -> memref<32x128xf32, #tpu.memory_space<vmem>>
    tpu.wait_dma2 semaphore(%arg24 : memref<!tpu.dma_semaphore, #tpu.memory_space<semaphore_mem>>) src(%dma_wait3A_600 : memref<32x128xf32, #tpu.memory_space<vmem>>) dst(%dma_wait3A_596 : memref<32x128xf32, #tpu.memory_space<hbm>>)
    %dma_wait3A_601 = arith.constant 2 : i32
    %dma_wait3A_602 = arith.constant 0 : i32
    %dma_wait3A_603 = arith.constant 0 : i32
    %dma_wait3A_604 = tpu.memref_slice %arg6[%dma_wait3A_601, %dma_wait3A_602, %dma_wait3A_603] : memref<16x32x128xf32, #tpu.memory_space<vmem>> -> memref<1x32x128xf32, #tpu.memory_space<vmem>>
    %dma_wait3A_605 = tpu.memref_squeeze %dma_wait3A_604 : memref<1x32x128xf32, #tpu.memory_space<vmem>> -> memref<32x128xf32, #tpu.memory_space<vmem>>
    %dma_wait3A_606 = arith.constant 0 : i32
    %dma_wait3A_607 = tpu.memref_slice %arg4[%add3A_236, %dma_wait3A_606] : memref<16384x128xf32, #tpu.memory_space<hbm>> -> memref<32x128xf32, #tpu.memory_space<hbm>>
    %dma_wait3A_608 = arith.constant 0 : i32
    %dma_wait3A_609 = tpu.memref_slice %arg4[%add3A_236, %dma_wait3A_608] : memref<16384x128xf32, #tpu.memory_space<hbm>> -> memref<32x128xf32, #tpu.memory_space<hbm>>
    %dma_wait3A_610 = arith.constant 0 : i32
    %dma_wait3A_611 = arith.constant 0 : i32
    %dma_wait3A_612 = tpu.memref_slice %arg6[%dma_wait3A_601, %dma_wait3A_610, %dma_wait3A_611] : memref<16x32x128xf32, #tpu.memory_space<vmem>> -> memref<1x32x128xf32, #tpu.memory_space<vmem>>
    %dma_wait3A_613 = tpu.memref_squeeze %dma_wait3A_612 : memref<1x32x128xf32, #tpu.memory_space<vmem>> -> memref<32x128xf32, #tpu.memory_space<vmem>>
    tpu.wait_dma2 semaphore(%arg24 : memref<!tpu.dma_semaphore, #tpu.memory_space<semaphore_mem>>) src(%dma_wait3A_613 : memref<32x128xf32, #tpu.memory_space<vmem>>) dst(%dma_wait3A_609 : memref<32x128xf32, #tpu.memory_space<hbm>>)
    %dma_wait3A_614 = arith.constant 3 : i32
    %dma_wait3A_615 = arith.constant 0 : i32
    %dma_wait3A_616 = arith.constant 0 : i32
    %dma_wait3A_617 = tpu.memref_slice %arg6[%dma_wait3A_614, %dma_wait3A_615, %dma_wait3A_616] : memref<16x32x128xf32, #tpu.memory_space<vmem>> -> memref<1x32x128xf32, #tpu.memory_space<vmem>>
    %dma_wait3A_618 = tpu.memref_squeeze %dma_wait3A_617 : memref<1x32x128xf32, #tpu.memory_space<vmem>> -> memref<32x128xf32, #tpu.memory_space<vmem>>
    %dma_wait3A_619 = arith.constant 0 : i32
    %dma_wait3A_620 = tpu.memref_slice %arg4[%add3A_261, %dma_wait3A_619] : memref<16384x128xf32, #tpu.memory_space<hbm>> -> memref<32x128xf32, #tpu.memory_space<hbm>>
    %dma_wait3A_621 = arith.constant 0 : i32
    %dma_wait3A_622 = tpu.memref_slice %arg4[%add3A_261, %dma_wait3A_621] : memref<16384x128xf32, #tpu.memory_space<hbm>> -> memref<32x128xf32, #tpu.memory_space<hbm>>
    %dma_wait3A_623 = arith.constant 0 : i32
    %dma_wait3A_624 = arith.constant 0 : i32
    %dma_wait3A_625 = tpu.memref_slice %arg6[%dma_wait3A_614, %dma_wait3A_623, %dma_wait3A_624] : memref<16x32x128xf32, #tpu.memory_space<vmem>> -> memref<1x32x128xf32, #tpu.memory_space<vmem>>
    %dma_wait3A_626 = tpu.memref_squeeze %dma_wait3A_625 : memref<1x32x128xf32, #tpu.memory_space<vmem>> -> memref<32x128xf32, #tpu.memory_space<vmem>>
    tpu.wait_dma2 semaphore(%arg24 : memref<!tpu.dma_semaphore, #tpu.memory_space<semaphore_mem>>) src(%dma_wait3A_626 : memref<32x128xf32, #tpu.memory_space<vmem>>) dst(%dma_wait3A_622 : memref<32x128xf32, #tpu.memory_space<hbm>>)
    %dma_wait3A_627 = arith.constant 4 : i32
    %dma_wait3A_628 = arith.constant 0 : i32
    %dma_wait3A_629 = arith.constant 0 : i32
    %dma_wait3A_630 = tpu.memref_slice %arg6[%dma_wait3A_627, %dma_wait3A_628, %dma_wait3A_629] : memref<16x32x128xf32, #tpu.memory_space<vmem>> -> memref<1x32x128xf32, #tpu.memory_space<vmem>>
    %dma_wait3A_631 = tpu.memref_squeeze %dma_wait3A_630 : memref<1x32x128xf32, #tpu.memory_space<vmem>> -> memref<32x128xf32, #tpu.memory_space<vmem>>
    %dma_wait3A_632 = arith.constant 0 : i32
    %dma_wait3A_633 = tpu.memref_slice %arg4[%add3A_286, %dma_wait3A_632] : memref<16384x128xf32, #tpu.memory_space<hbm>> -> memref<32x128xf32, #tpu.memory_space<hbm>>
    %dma_wait3A_634 = arith.constant 0 : i32
    %dma_wait3A_635 = tpu.memref_slice %arg4[%add3A_286, %dma_wait3A_634] : memref<16384x128xf32, #tpu.memory_space<hbm>> -> memref<32x128xf32, #tpu.memory_space<hbm>>
    %dma_wait3A_636 = arith.constant 0 : i32
    %dma_wait3A_637 = arith.constant 0 : i32
    %dma_wait3A_638 = tpu.memref_slice %arg6[%dma_wait3A_627, %dma_wait3A_636, %dma_wait3A_637] : memref<16x32x128xf32, #tpu.memory_space<vmem>> -> memref<1x32x128xf32, #tpu.memory_space<vmem>>
    %dma_wait3A_639 = tpu.memref_squeeze %dma_wait3A_638 : memref<1x32x128xf32, #tpu.memory_space<vmem>> -> memref<32x128xf32, #tpu.memory_space<vmem>>
    tpu.wait_dma2 semaphore(%arg24 : memref<!tpu.dma_semaphore, #tpu.memory_space<semaphore_mem>>) src(%dma_wait3A_639 : memref<32x128xf32, #tpu.memory_space<vmem>>) dst(%dma_wait3A_635 : memref<32x128xf32, #tpu.memory_space<hbm>>)
    %dma_wait3A_640 = arith.constant 5 : i32
    %dma_wait3A_641 = arith.constant 0 : i32
    %dma_wait3A_642 = arith.constant 0 : i32
    %dma_wait3A_643 = tpu.memref_slice %arg6[%dma_wait3A_640, %dma_wait3A_641, %dma_wait3A_642] : memref<16x32x128xf32, #tpu.memory_space<vmem>> -> memref<1x32x128xf32, #tpu.memory_space<vmem>>
    %dma_wait3A_644 = tpu.memref_squeeze %dma_wait3A_643 : memref<1x32x128xf32, #tpu.memory_space<vmem>> -> memref<32x128xf32, #tpu.memory_space<vmem>>
    %dma_wait3A_645 = arith.constant 0 : i32
    %dma_wait3A_646 = tpu.memref_slice %arg4[%add3A_311, %dma_wait3A_645] : memref<16384x128xf32, #tpu.memory_space<hbm>> -> memref<32x128xf32, #tpu.memory_space<hbm>>
    %dma_wait3A_647 = arith.constant 0 : i32
    %dma_wait3A_648 = tpu.memref_slice %arg4[%add3A_311, %dma_wait3A_647] : memref<16384x128xf32, #tpu.memory_space<hbm>> -> memref<32x128xf32, #tpu.memory_space<hbm>>
    %dma_wait3A_649 = arith.constant 0 : i32
    %dma_wait3A_650 = arith.constant 0 : i32
    %dma_wait3A_651 = tpu.memref_slice %arg6[%dma_wait3A_640, %dma_wait3A_649, %dma_wait3A_650] : memref<16x32x128xf32, #tpu.memory_space<vmem>> -> memref<1x32x128xf32, #tpu.memory_space<vmem>>
    %dma_wait3A_652 = tpu.memref_squeeze %dma_wait3A_651 : memref<1x32x128xf32, #tpu.memory_space<vmem>> -> memref<32x128xf32, #tpu.memory_space<vmem>>
    tpu.wait_dma2 semaphore(%arg24 : memref<!tpu.dma_semaphore, #tpu.memory_space<semaphore_mem>>) src(%dma_wait3A_652 : memref<32x128xf32, #tpu.memory_space<vmem>>) dst(%dma_wait3A_648 : memref<32x128xf32, #tpu.memory_space<hbm>>)
    %dma_wait3A_653 = arith.constant 6 : i32
    %dma_wait3A_654 = arith.constant 0 : i32
    %dma_wait3A_655 = arith.constant 0 : i32
    %dma_wait3A_656 = tpu.memref_slice %arg6[%dma_wait3A_653, %dma_wait3A_654, %dma_wait3A_655] : memref<16x32x128xf32, #tpu.memory_space<vmem>> -> memref<1x32x128xf32, #tpu.memory_space<vmem>>
    %dma_wait3A_657 = tpu.memref_squeeze %dma_wait3A_656 : memref<1x32x128xf32, #tpu.memory_space<vmem>> -> memref<32x128xf32, #tpu.memory_space<vmem>>
    %dma_wait3A_658 = arith.constant 0 : i32
    %dma_wait3A_659 = tpu.memref_slice %arg4[%add3A_336, %dma_wait3A_658] : memref<16384x128xf32, #tpu.memory_space<hbm>> -> memref<32x128xf32, #tpu.memory_space<hbm>>
    %dma_wait3A_660 = arith.constant 0 : i32
    %dma_wait3A_661 = tpu.memref_slice %arg4[%add3A_336, %dma_wait3A_660] : memref<16384x128xf32, #tpu.memory_space<hbm>> -> memref<32x128xf32, #tpu.memory_space<hbm>>
    %dma_wait3A_662 = arith.constant 0 : i32
    %dma_wait3A_663 = arith.constant 0 : i32
    %dma_wait3A_664 = tpu.memref_slice %arg6[%dma_wait3A_653, %dma_wait3A_662, %dma_wait3A_663] : memref<16x32x128xf32, #tpu.memory_space<vmem>> -> memref<1x32x128xf32, #tpu.memory_space<vmem>>
    %dma_wait3A_665 = tpu.memref_squeeze %dma_wait3A_664 : memref<1x32x128xf32, #tpu.memory_space<vmem>> -> memref<32x128xf32, #tpu.memory_space<vmem>>
    tpu.wait_dma2 semaphore(%arg24 : memref<!tpu.dma_semaphore, #tpu.memory_space<semaphore_mem>>) src(%dma_wait3A_665 : memref<32x128xf32, #tpu.memory_space<vmem>>) dst(%dma_wait3A_661 : memref<32x128xf32, #tpu.memory_space<hbm>>)
    %dma_wait3A_666 = arith.constant 7 : i32
    %dma_wait3A_667 = arith.constant 0 : i32
    %dma_wait3A_668 = arith.constant 0 : i32
    %dma_wait3A_669 = tpu.memref_slice %arg6[%dma_wait3A_666, %dma_wait3A_667, %dma_wait3A_668] : memref<16x32x128xf32, #tpu.memory_space<vmem>> -> memref<1x32x128xf32, #tpu.memory_space<vmem>>
    %dma_wait3A_670 = tpu.memref_squeeze %dma_wait3A_669 : memref<1x32x128xf32, #tpu.memory_space<vmem>> -> memref<32x128xf32, #tpu.memory_space<vmem>>
    %dma_wait3A_671 = arith.constant 0 : i32
    %dma_wait3A_672 = tpu.memref_slice %arg4[%add3A_361, %dma_wait3A_671] : memref<16384x128xf32, #tpu.memory_space<hbm>> -> memref<32x128xf32, #tpu.memory_space<hbm>>
    %dma_wait3A_673 = arith.constant 0 : i32
    %dma_wait3A_674 = tpu.memref_slice %arg4[%add3A_361, %dma_wait3A_673] : memref<16384x128xf32, #tpu.memory_space<hbm>> -> memref<32x128xf32, #tpu.memory_space<hbm>>
    %dma_wait3A_675 = arith.constant 0 : i32
    %dma_wait3A_676 = arith.constant 0 : i32
    %dma_wait3A_677 = tpu.memref_slice %arg6[%dma_wait3A_666, %dma_wait3A_675, %dma_wait3A_676] : memref<16x32x128xf32, #tpu.memory_space<vmem>> -> memref<1x32x128xf32, #tpu.memory_space<vmem>>
    %dma_wait3A_678 = tpu.memref_squeeze %dma_wait3A_677 : memref<1x32x128xf32, #tpu.memory_space<vmem>> -> memref<32x128xf32, #tpu.memory_space<vmem>>
    tpu.wait_dma2 semaphore(%arg24 : memref<!tpu.dma_semaphore, #tpu.memory_space<semaphore_mem>>) src(%dma_wait3A_678 : memref<32x128xf32, #tpu.memory_space<vmem>>) dst(%dma_wait3A_674 : memref<32x128xf32, #tpu.memory_space<hbm>>)
    %dma_wait3A_679 = arith.constant 8 : i32
    %dma_wait3A_680 = arith.constant 0 : i32
    %dma_wait3A_681 = arith.constant 0 : i32
    %dma_wait3A_682 = tpu.memref_slice %arg6[%dma_wait3A_679, %dma_wait3A_680, %dma_wait3A_681] : memref<16x32x128xf32, #tpu.memory_space<vmem>> -> memref<1x32x128xf32, #tpu.memory_space<vmem>>
    %dma_wait3A_683 = tpu.memref_squeeze %dma_wait3A_682 : memref<1x32x128xf32, #tpu.memory_space<vmem>> -> memref<32x128xf32, #tpu.memory_space<vmem>>
    %dma_wait3A_684 = arith.constant 0 : i32
    %dma_wait3A_685 = tpu.memref_slice %arg4[%add3A_386, %dma_wait3A_684] : memref<16384x128xf32, #tpu.memory_space<hbm>> -> memref<32x128xf32, #tpu.memory_space<hbm>>
    %dma_wait3A_686 = arith.constant 0 : i32
    %dma_wait3A_687 = tpu.memref_slice %arg4[%add3A_386, %dma_wait3A_686] : memref<16384x128xf32, #tpu.memory_space<hbm>> -> memref<32x128xf32, #tpu.memory_space<hbm>>
    %dma_wait3A_688 = arith.constant 0 : i32
    %dma_wait3A_689 = arith.constant 0 : i32
    %dma_wait3A_690 = tpu.memref_slice %arg6[%dma_wait3A_679, %dma_wait3A_688, %dma_wait3A_689] : memref<16x32x128xf32, #tpu.memory_space<vmem>> -> memref<1x32x128xf32, #tpu.memory_space<vmem>>
    %dma_wait3A_691 = tpu.memref_squeeze %dma_wait3A_690 : memref<1x32x128xf32, #tpu.memory_space<vmem>> -> memref<32x128xf32, #tpu.memory_space<vmem>>
    tpu.wait_dma2 semaphore(%arg24 : memref<!tpu.dma_semaphore, #tpu.memory_space<semaphore_mem>>) src(%dma_wait3A_691 : memref<32x128xf32, #tpu.memory_space<vmem>>) dst(%dma_wait3A_687 : memref<32x128xf32, #tpu.memory_space<hbm>>)
    %dma_wait3A_692 = arith.constant 9 : i32
    %dma_wait3A_693 = arith.constant 0 : i32
    %dma_wait3A_694 = arith.constant 0 : i32
    %dma_wait3A_695 = tpu.memref_slice %arg6[%dma_wait3A_692, %dma_wait3A_693, %dma_wait3A_694] : memref<16x32x128xf32, #tpu.memory_space<vmem>> -> memref<1x32x128xf32, #tpu.memory_space<vmem>>
    %dma_wait3A_696 = tpu.memref_squeeze %dma_wait3A_695 : memref<1x32x128xf32, #tpu.memory_space<vmem>> -> memref<32x128xf32, #tpu.memory_space<vmem>>
    %dma_wait3A_697 = arith.constant 0 : i32
    %dma_wait3A_698 = tpu.memref_slice %arg4[%add3A_411, %dma_wait3A_697] : memref<16384x128xf32, #tpu.memory_space<hbm>> -> memref<32x128xf32, #tpu.memory_space<hbm>>
    %dma_wait3A_699 = arith.constant 0 : i32
    %dma_wait3A_700 = tpu.memref_slice %arg4[%add3A_411, %dma_wait3A_699] : memref<16384x128xf32, #tpu.memory_space<hbm>> -> memref<32x128xf32, #tpu.memory_space<hbm>>
    %dma_wait3A_701 = arith.constant 0 : i32
    %dma_wait3A_702 = arith.constant 0 : i32
    %dma_wait3A_703 = tpu.memref_slice %arg6[%dma_wait3A_692, %dma_wait3A_701, %dma_wait3A_702] : memref<16x32x128xf32, #tpu.memory_space<vmem>> -> memref<1x32x128xf32, #tpu.memory_space<vmem>>
    %dma_wait3A_704 = tpu.memref_squeeze %dma_wait3A_703 : memref<1x32x128xf32, #tpu.memory_space<vmem>> -> memref<32x128xf32, #tpu.memory_space<vmem>>
    tpu.wait_dma2 semaphore(%arg24 : memref<!tpu.dma_semaphore, #tpu.memory_space<semaphore_mem>>) src(%dma_wait3A_704 : memref<32x128xf32, #tpu.memory_space<vmem>>) dst(%dma_wait3A_700 : memref<32x128xf32, #tpu.memory_space<hbm>>)
    %dma_wait3A_705 = arith.constant 10 : i32
    %dma_wait3A_706 = arith.constant 0 : i32
    %dma_wait3A_707 = arith.constant 0 : i32
    %dma_wait3A_708 = tpu.memref_slice %arg6[%dma_wait3A_705, %dma_wait3A_706, %dma_wait3A_707] : memref<16x32x128xf32, #tpu.memory_space<vmem>> -> memref<1x32x128xf32, #tpu.memory_space<vmem>>
    %dma_wait3A_709 = tpu.memref_squeeze %dma_wait3A_708 : memref<1x32x128xf32, #tpu.memory_space<vmem>> -> memref<32x128xf32, #tpu.memory_space<vmem>>
    %dma_wait3A_710 = arith.constant 0 : i32
    %dma_wait3A_711 = tpu.memref_slice %arg4[%add3A_436, %dma_wait3A_710] : memref<16384x128xf32, #tpu.memory_space<hbm>> -> memref<32x128xf32, #tpu.memory_space<hbm>>
    %dma_wait3A_712 = arith.constant 0 : i32
    %dma_wait3A_713 = tpu.memref_slice %arg4[%add3A_436, %dma_wait3A_712] : memref<16384x128xf32, #tpu.memory_space<hbm>> -> memref<32x128xf32, #tpu.memory_space<hbm>>
    %dma_wait3A_714 = arith.constant 0 : i32
    %dma_wait3A_715 = arith.constant 0 : i32
    %dma_wait3A_716 = tpu.memref_slice %arg6[%dma_wait3A_705, %dma_wait3A_714, %dma_wait3A_715] : memref<16x32x128xf32, #tpu.memory_space<vmem>> -> memref<1x32x128xf32, #tpu.memory_space<vmem>>
    %dma_wait3A_717 = tpu.memref_squeeze %dma_wait3A_716 : memref<1x32x128xf32, #tpu.memory_space<vmem>> -> memref<32x128xf32, #tpu.memory_space<vmem>>
    tpu.wait_dma2 semaphore(%arg24 : memref<!tpu.dma_semaphore, #tpu.memory_space<semaphore_mem>>) src(%dma_wait3A_717 : memref<32x128xf32, #tpu.memory_space<vmem>>) dst(%dma_wait3A_713 : memref<32x128xf32, #tpu.memory_space<hbm>>)
    %dma_wait3A_718 = arith.constant 11 : i32
    %dma_wait3A_719 = arith.constant 0 : i32
    %dma_wait3A_720 = arith.constant 0 : i32
    %dma_wait3A_721 = tpu.memref_slice %arg6[%dma_wait3A_718, %dma_wait3A_719, %dma_wait3A_720] : memref<16x32x128xf32, #tpu.memory_space<vmem>> -> memref<1x32x128xf32, #tpu.memory_space<vmem>>
    %dma_wait3A_722 = tpu.memref_squeeze %dma_wait3A_721 : memref<1x32x128xf32, #tpu.memory_space<vmem>> -> memref<32x128xf32, #tpu.memory_space<vmem>>
    %dma_wait3A_723 = arith.constant 0 : i32
    %dma_wait3A_724 = tpu.memref_slice %arg4[%add3A_461, %dma_wait3A_723] : memref<16384x128xf32, #tpu.memory_space<hbm>> -> memref<32x128xf32, #tpu.memory_space<hbm>>
    %dma_wait3A_725 = arith.constant 0 : i32
    %dma_wait3A_726 = tpu.memref_slice %arg4[%add3A_461, %dma_wait3A_725] : memref<16384x128xf32, #tpu.memory_space<hbm>> -> memref<32x128xf32, #tpu.memory_space<hbm>>
    %dma_wait3A_727 = arith.constant 0 : i32
    %dma_wait3A_728 = arith.constant 0 : i32
    %dma_wait3A_729 = tpu.memref_slice %arg6[%dma_wait3A_718, %dma_wait3A_727, %dma_wait3A_728] : memref<16x32x128xf32, #tpu.memory_space<vmem>> -> memref<1x32x128xf32, #tpu.memory_space<vmem>>
    %dma_wait3A_730 = tpu.memref_squeeze %dma_wait3A_729 : memref<1x32x128xf32, #tpu.memory_space<vmem>> -> memref<32x128xf32, #tpu.memory_space<vmem>>
    tpu.wait_dma2 semaphore(%arg24 : memref<!tpu.dma_semaphore, #tpu.memory_space<semaphore_mem>>) src(%dma_wait3A_730 : memref<32x128xf32, #tpu.memory_space<vmem>>) dst(%dma_wait3A_726 : memref<32x128xf32, #tpu.memory_space<hbm>>)
    %dma_wait3A_731 = arith.constant 12 : i32
    %dma_wait3A_732 = arith.constant 0 : i32
    %dma_wait3A_733 = arith.constant 0 : i32
    %dma_wait3A_734 = tpu.memref_slice %arg6[%dma_wait3A_731, %dma_wait3A_732, %dma_wait3A_733] : memref<16x32x128xf32, #tpu.memory_space<vmem>> -> memref<1x32x128xf32, #tpu.memory_space<vmem>>
    %dma_wait3A_735 = tpu.memref_squeeze %dma_wait3A_734 : memref<1x32x128xf32, #tpu.memory_space<vmem>> -> memref<32x128xf32, #tpu.memory_space<vmem>>
    %dma_wait3A_736 = arith.constant 0 : i32
    %dma_wait3A_737 = tpu.memref_slice %arg4[%add3A_486, %dma_wait3A_736] : memref<16384x128xf32, #tpu.memory_space<hbm>> -> memref<32x128xf32, #tpu.memory_space<hbm>>
    %dma_wait3A_738 = arith.constant 0 : i32
    %dma_wait3A_739 = tpu.memref_slice %arg4[%add3A_486, %dma_wait3A_738] : memref<16384x128xf32, #tpu.memory_space<hbm>> -> memref<32x128xf32, #tpu.memory_space<hbm>>
    %dma_wait3A_740 = arith.constant 0 : i32
    %dma_wait3A_741 = arith.constant 0 : i32
    %dma_wait3A_742 = tpu.memref_slice %arg6[%dma_wait3A_731, %dma_wait3A_740, %dma_wait3A_741] : memref<16x32x128xf32, #tpu.memory_space<vmem>> -> memref<1x32x128xf32, #tpu.memory_space<vmem>>
    %dma_wait3A_743 = tpu.memref_squeeze %dma_wait3A_742 : memref<1x32x128xf32, #tpu.memory_space<vmem>> -> memref<32x128xf32, #tpu.memory_space<vmem>>
    tpu.wait_dma2 semaphore(%arg24 : memref<!tpu.dma_semaphore, #tpu.memory_space<semaphore_mem>>) src(%dma_wait3A_743 : memref<32x128xf32, #tpu.memory_space<vmem>>) dst(%dma_wait3A_739 : memref<32x128xf32, #tpu.memory_space<hbm>>)
    %dma_wait3A_744 = arith.constant 13 : i32
    %dma_wait3A_745 = arith.constant 0 : i32
    %dma_wait3A_746 = arith.constant 0 : i32
    %dma_wait3A_747 = tpu.memref_slice %arg6[%dma_wait3A_744, %dma_wait3A_745, %dma_wait3A_746] : memref<16x32x128xf32, #tpu.memory_space<vmem>> -> memref<1x32x128xf32, #tpu.memory_space<vmem>>
    %dma_wait3A_748 = tpu.memref_squeeze %dma_wait3A_747 : memref<1x32x128xf32, #tpu.memory_space<vmem>> -> memref<32x128xf32, #tpu.memory_space<vmem>>
    %dma_wait3A_749 = arith.constant 0 : i32
    %dma_wait3A_750 = tpu.memref_slice %arg4[%add3A_511, %dma_wait3A_749] : memref<16384x128xf32, #tpu.memory_space<hbm>> -> memref<32x128xf32, #tpu.memory_space<hbm>>
    %dma_wait3A_751 = arith.constant 0 : i32
    %dma_wait3A_752 = tpu.memref_slice %arg4[%add3A_511, %dma_wait3A_751] : memref<16384x128xf32, #tpu.memory_space<hbm>> -> memref<32x128xf32, #tpu.memory_space<hbm>>
    %dma_wait3A_753 = arith.constant 0 : i32
    %dma_wait3A_754 = arith.constant 0 : i32
    %dma_wait3A_755 = tpu.memref_slice %arg6[%dma_wait3A_744, %dma_wait3A_753, %dma_wait3A_754] : memref<16x32x128xf32, #tpu.memory_space<vmem>> -> memref<1x32x128xf32, #tpu.memory_space<vmem>>
    %dma_wait3A_756 = tpu.memref_squeeze %dma_wait3A_755 : memref<1x32x128xf32, #tpu.memory_space<vmem>> -> memref<32x128xf32, #tpu.memory_space<vmem>>
    tpu.wait_dma2 semaphore(%arg24 : memref<!tpu.dma_semaphore, #tpu.memory_space<semaphore_mem>>) src(%dma_wait3A_756 : memref<32x128xf32, #tpu.memory_space<vmem>>) dst(%dma_wait3A_752 : memref<32x128xf32, #tpu.memory_space<hbm>>)
    %dma_wait3A_757 = arith.constant 14 : i32
    %dma_wait3A_758 = arith.constant 0 : i32
    %dma_wait3A_759 = arith.constant 0 : i32
    %dma_wait3A_760 = tpu.memref_slice %arg6[%dma_wait3A_757, %dma_wait3A_758, %dma_wait3A_759] : memref<16x32x128xf32, #tpu.memory_space<vmem>> -> memref<1x32x128xf32, #tpu.memory_space<vmem>>
    %dma_wait3A_761 = tpu.memref_squeeze %dma_wait3A_760 : memref<1x32x128xf32, #tpu.memory_space<vmem>> -> memref<32x128xf32, #tpu.memory_space<vmem>>
    %dma_wait3A_762 = arith.constant 0 : i32
    %dma_wait3A_763 = tpu.memref_slice %arg4[%add3A_536, %dma_wait3A_762] : memref<16384x128xf32, #tpu.memory_space<hbm>> -> memref<32x128xf32, #tpu.memory_space<hbm>>
    %dma_wait3A_764 = arith.constant 0 : i32
    %dma_wait3A_765 = tpu.memref_slice %arg4[%add3A_536, %dma_wait3A_764] : memref<16384x128xf32, #tpu.memory_space<hbm>> -> memref<32x128xf32, #tpu.memory_space<hbm>>
    %dma_wait3A_766 = arith.constant 0 : i32
    %dma_wait3A_767 = arith.constant 0 : i32
    %dma_wait3A_768 = tpu.memref_slice %arg6[%dma_wait3A_757, %dma_wait3A_766, %dma_wait3A_767] : memref<16x32x128xf32, #tpu.memory_space<vmem>> -> memref<1x32x128xf32, #tpu.memory_space<vmem>>
    %dma_wait3A_769 = tpu.memref_squeeze %dma_wait3A_768 : memref<1x32x128xf32, #tpu.memory_space<vmem>> -> memref<32x128xf32, #tpu.memory_space<vmem>>
    tpu.wait_dma2 semaphore(%arg24 : memref<!tpu.dma_semaphore, #tpu.memory_space<semaphore_mem>>) src(%dma_wait3A_769 : memref<32x128xf32, #tpu.memory_space<vmem>>) dst(%dma_wait3A_765 : memref<32x128xf32, #tpu.memory_space<hbm>>)
    %dma_wait3A_770 = arith.constant 15 : i32
    %dma_wait3A_771 = arith.constant 0 : i32
    %dma_wait3A_772 = arith.constant 0 : i32
    %dma_wait3A_773 = tpu.memref_slice %arg6[%dma_wait3A_770, %dma_wait3A_771, %dma_wait3A_772] : memref<16x32x128xf32, #tpu.memory_space<vmem>> -> memref<1x32x128xf32, #tpu.memory_space<vmem>>
    %dma_wait3A_774 = tpu.memref_squeeze %dma_wait3A_773 : memref<1x32x128xf32, #tpu.memory_space<vmem>> -> memref<32x128xf32, #tpu.memory_space<vmem>>
    %dma_wait3A_775 = arith.constant 0 : i32
    %dma_wait3A_776 = tpu.memref_slice %arg4[%add3A_561, %dma_wait3A_775] : memref<16384x128xf32, #tpu.memory_space<hbm>> -> memref<32x128xf32, #tpu.memory_space<hbm>>
    %dma_wait3A_777 = arith.constant 0 : i32
    %dma_wait3A_778 = tpu.memref_slice %arg4[%add3A_561, %dma_wait3A_777] : memref<16384x128xf32, #tpu.memory_space<hbm>> -> memref<32x128xf32, #tpu.memory_space<hbm>>
    %dma_wait3A_779 = arith.constant 0 : i32
    %dma_wait3A_780 = arith.constant 0 : i32
    %dma_wait3A_781 = tpu.memref_slice %arg6[%dma_wait3A_770, %dma_wait3A_779, %dma_wait3A_780] : memref<16x32x128xf32, #tpu.memory_space<vmem>> -> memref<1x32x128xf32, #tpu.memory_space<vmem>>
    %dma_wait3A_782 = tpu.memref_squeeze %dma_wait3A_781 : memref<1x32x128xf32, #tpu.memory_space<vmem>> -> memref<32x128xf32, #tpu.memory_space<vmem>>
    tpu.wait_dma2 semaphore(%arg24 : memref<!tpu.dma_semaphore, #tpu.memory_space<semaphore_mem>>) src(%dma_wait3A_782 : memref<32x128xf32, #tpu.memory_space<vmem>>) dst(%dma_wait3A_778 : memref<32x128xf32, #tpu.memory_space<hbm>>)
    return
  }
}

</mosaic_0001>

<sc_bundles>
// kernel: _sc_gather.3.cloned.1.call-start
scs
__scs_entry_jumppad:
0x0: {  	(pc) =	sbr.rel $0x88, $3  }
0x1: {  	(tag) =	ssettag $0x0;
	lr =	simm.s32 $0x1  }
0x2: {  	[smem:$0x3F9F] =	sst lr;
	_ =	strace $0xD0000000  }
0x3: {  	_ = 	snop  }
0x4: {  	_ = 	snop  }
0x5: {  	_ = 	snop  }
0x6: {  	_ = 	snop  }
0x7: {  	_ = 	snop  }
__scs_overlays_trampoline_lowered:
0x8: {  	[smem:$0x3FAE] =	sst s0  }
0x9: {  	[smem:$0x3FAF] =	sst s1  }
0xa: {  	[smem:$0x3FB0] =	sst s2  }
0xb: {  	[smem:$0x3FB1] =	sst s3  }
0xc: {  	[smem:$0x3FB2] =	sst s4  }
0xd: {  	[smem:$0x3FB3] =	sst s5  }
0xe: {  	[smem:$0x3FB4] =	sst s6  }
0xf: {  	[smem:$0x3FB5] =	sst s7  }
0x10: {  	[smem:$0x3FB6] =	sst s8  }
0x11: {  	[smem:$0x3FB7] =	sst s9;
	s0 =	simm.s32 @!p0 $0x0  }
0x12: {  	s1 =	sld [smem:$0x3F9D];
	s0 =	simm.s32 @p0 $0x1  }
0x13: {  	[smem:$0x3FB8] =	sst s0;
	s0 =	simm.s32 @!p1 $0x0  }
0x14: {  	s2 =	sld [smem:$0x3F9C];
	s0 =	simm.s32 @p1 $0x1  }
0x15: {  	[smem:$0x3FB9] =	sst s0;
	s0 =	simm.s32 @!p2 $0x0  }
0x16: {  	s3 =	sld [smem:$0x3FDB];
	s0 =	simm.s32 @p2 $0x1  }
0x17: {  	s4 =	simm.s32 $0x1BF5;
	[smem:$0x3FBB] =	sst s0  }
0x18: {  	s0 =	sld [smem:$0x3F9E];
	_ =	swait.ge [sflag:s4], $0x0  }
0x19: {  	s7 =	sld [smem:$0x3F9F]  }
0x1a: {  	s8 =	sadd.s32 $0xFFFFE003, lr  }
0x1b: {  	s9 =	sadd.s32 $0xFFFFFEF7, lr;
	s5 =	simm.s32 $0xFFFFFFFF;
	p2 =	slt.u32 s8, $0xFFFFF086  }
0x1c: {  	p1 =	slt.u32 s9, $0xF7A;
	s5 =	simm.s32 @!p2 $0x0  }
0x1d: {  	s5 =	simm.s32 @p1 $0x1;
	p0 =	seq.s32 s7, s2  }
0x1e: {  	s7 =	smul.u32 @!p0 $0xF7A, s2;
	p2 =	seq.s32 @!p0 s5, $0x0  }
0x1f: {  	s9 =	smul.u32 $0xF7A, s1;
	s8 =	simm.s32 @!p0 $0x1BF5;
	p2 =	por !p2, p0  }
0x20: {  	[sflag:s8] =	ssyncset.s32 @!p0 $0xFFFFF086;
	s6 =	sadd.s32 @!p0 s3, s7;
	s7 =	simm.s32 @!p0 $0x108  }
0x21: {  	s3 =	sadd.s32 s3, s9;
	s6 =	sadd.s32 @!p0 $0x88, s6;
	s7 =	simm.s32 @p2 $0x1082  }
0x22: {  	[simem:s7], [sflag:s8] =	dma.local @!p0 [hbm:s6], $0xF7A  }
0x23: {  	s9 =	sor.u32 $0xD0000000, s2;
	s6 =	simm.s32 $0x108;
	_ =	swait.ge @!p0 [sflag:s8], $0x0  }
0x24: {  	s3 =	sadd.s32 $0x88, s3;
	s6 =	simm.s32 @!p1 $0x1082;
	[sflag:s4] =	ssyncset.s32 $0xFFFFF086  }
0x25: {  	[simem:s6], [sflag:s4] =	dma.local [hbm:s3], $0xF7A  }
0x26: {  	[smem:$0x3F9F] =	sst s1;
	(tag) =	ssettag s2;
	_ =	strace s9  }
0x27: {  	s1 =	sld [smem:$0x3FAF]  }
0x28: {  	s2 =	sld [smem:$0x3FB0]  }
0x29: {  	s4 =	sld [smem:$0x3FB2]  }
0x2a: {  	p0 =	seq.s32 s5, $0x0;
	s5 =	sld [smem:$0x3FB3]  }
0x2b: {  	s6 =	sld [smem:$0x3FB4]  }
0x2c: {  	s7 =	sld [smem:$0x3FB5]  }
0x2d: {  	s3 =	simm.s32 $0x108;
	s8 =	sld [smem:$0x3FB6]  }
0x2e: {  	s3 =	simm.s32 @!p0 $0x1082;
	s9 =	sld [smem:$0x3FB7]  }
0x2f: {  	lr =	sadd.s32 s0, s3;
	s0 =	sld [smem:$0x3FAE]  }
0x30: {  	s3 =	sld [smem:$0x3FB1]  }
0x31: {  	[smem:$0x3FBA] =	sst s10  }
0x32: {  	s10 =	sld [smem:$0x3FB8];
	_ =	sdelay $0x3  }
0x33: {  	p0 =	seq.s32 s10, $0x1;
	s10 =	sld [smem:$0x3FBA];
	_ =	sdelay $0x3  }
0x34: {  	[smem:$0x3FBA] =	sst s10  }
0x35: {  	s10 =	sld [smem:$0x3FB9];
	_ =	sdelay $0x3  }
0x36: {  	p1 =	seq.s32 s10, $0x1;
	s10 =	sld [smem:$0x3FBA];
	_ =	sdelay $0x3  }
0x37: {  	[smem:$0x3FBA] =	sst s10  }
0x38: {  	s10 =	sld [smem:$0x3FBB]  }
0x39: {  	_ = 	snop;
	(pc) =	sbr.ind lr, $3  }
0x3a: {  	_ = 	snop  }
0x3b: {  	_ = 	snop  }
0x3c: {  	p2 =	seq.s32 s10, $0x1;
	s10 =	sld [smem:$0x3FBA]  }
0x3d: {  	_ =	shalt  }
0x3e: {  	_ =	shalt  }
0x3f: {  	_ =	shalt  }
0x40: {  	_ =	shalt  }
0x41: {  	_ =	shalt  }
0x42: {  	_ =	shalt  }
0x43: {  	_ =	shalt  }
0x44: {  	_ =	shalt  }
0x45: {  	_ =	shalt  }
0x46: {  	_ =	shalt  }
0x47: {  	_ =	shalt  }
0x48: {  	_ =	shalt  }
0x49: {  	_ =	shalt  }
0x4a: {  	_ =	shalt  }
0x4b: {  	_ =	shalt  }
0x4c: {  	_ =	shalt  }
0x4d: {  	_ =	shalt  }
0x4e: {  	_ =	shalt  }
0x4f: {  	_ =	shalt  }
0x50: {  	_ =	shalt  }
0x51: {  	_ =	shalt  }
0x52: {  	_ =	shalt  }
0x53: {  	_ =	shalt  }
0x54: {  	_ =	shalt  }
0x55: {  	_ =	shalt  }
0x56: {  	_ =	shalt  }
0x57: {  	_ =	shalt  }
0x58: {  	_ =	shalt  }
0x59: {  	_ =	shalt  }
0x5a: {  	_ =	shalt  }
0x5b: {  	_ =	shalt  }
0x5c: {  	_ =	shalt  }
0x5d: {  	_ =	shalt  }
0x5e: {  	_ =	shalt  }
0x5f: {  	_ =	shalt  }
0x60: {  	_ =	shalt  }
0x61: {  	_ =	shalt  }
0x62: {  	_ =	shalt  }
0x63: {  	_ =	shalt  }
0x64: {  	_ =	shalt  }
0x65: {  	_ =	shalt  }
0x66: {  	_ =	shalt  }
0x67: {  	_ =	shalt  }
0x68: {  	_ =	shalt  }
0x69: {  	_ =	shalt  }
0x6a: {  	_ =	shalt  }
0x6b: {  	_ =	shalt  }
0x6c: {  	_ =	shalt  }
0x6d: {  	_ =	shalt  }
0x6e: {  	_ =	shalt  }
0x6f: {  	_ =	shalt  }
0x70: {  	_ =	shalt  }
0x71: {  	_ =	shalt  }
0x72: {  	_ =	shalt  }
0x73: {  	_ =	shalt  }
0x74: {  	_ =	shalt  }
0x75: {  	_ =	shalt  }
0x76: {  	_ =	shalt  }
0x77: {  	_ =	shalt  }
0x78: {  	_ =	shalt  }
0x79: {  	_ =	shalt  }
0x7a: {  	_ =	shalt  }
0x7b: {  	_ =	shalt  }
0x7c: {  	_ =	shalt  }
0x7d: {  	_ =	shalt  }
0x7e: {  	_ =	shalt  }
0x7f: {  	_ =	shalt  }
0x80: {  	_ =	shalt  }
0x81: {  	_ =	shalt  }
0x82: {  	_ =	shalt  }
0x83: {  	_ =	shalt  }
0x84: {  	_ =	shalt  }
0x85: {  	_ =	shalt  }
0x86: {  	_ =	shalt  }
0x87: {  	_ =	shalt  }
.Lfunc_end0:
.L_simem_size_0:
called_computation_lowered:
.L_overlay_start_0:
0x88: {  	s2 =	sld [smem:$0x3FD9]  }
0x89: {  	s3 =	sld [smem:$0x3FFE];
	_ =	sdelay $0x1  }
0x8a: {  	s1 =	srdreg.scid  }
0x8b: {  	s0 =	sand.u32 $0x1, s1  }
0x8c: {  	s18 =	sshll.u32 s0, $0xA;
	s2 =	sadd.s32 s3, s2  }
0x8d: {  	s2 =	sadd.s32 s2, s18  }
0x8e: {  	[smem:$0x3FC6] =	sst s2  }
0x8f: {  	_ = 	snop  }
0x90: {  	s2 =	sld [smem:$0x3FC9]  }
0x91: {  	s19 =	sld [smem:$0x3FC8]  }
0x92: {  	s4 =	sld [smem:$0x3FD0];
	(tm) =	ssettm $0x1  }
0x93: {  	s5 =	sld [smem:$0x3FFB];
	_ =	sdelay $0x3  }
0x94: {  	_ =	strace s5  }
0x95: {  	s5 =	sld [smem:$0x3FFC];
	_ =	sdelay $0x3  }
0x96: {  	_ =	strace s5  }
0x97: {  	s5 =	sld [smem:$0x3FFD];
	_ =	sdelay $0x3  }
0x98: {  	_ =	strace s5  }
0x99: {  	_ =	strace $0x8FFFFFFF  }
0x9a: {  	s20 =	sld [smem:$0x3FDB];
	_ =	sdelay $0x1  }
0x9b: {  	s6 =	simm.s32 $_scs_section_size  }
0x9c: {  	s7 =	simm.s32 $_size__tile_overlayer_lowered;
	s8 =	simm.s32 $_tile_overlayer_lowered  }
0x9d: {  	s23 =	simm.s32 $0x1BFF;
	s22 =	sshll.u32 s8, $0x1;
	s5 =	sadd.s32 s6, s20  }
0x9e: {  	s9 =	simm.s32 $0x0;
	s21 =	sshll.u32 s7, $0x1;
	s7 =	sadd.s32 s22, s5  }
0x9f: {  	[timem:s9], [sflag:s23] =	dma.local [hbm:s7], s21  }
0xa0: {  	_ =	swait.ge [sflag:s23], s21  }
0xa1: {  	s6 =	ssub.s32 $0x0, s21;
	[sflag:s23] =	ssyncset.done $0x0  }
0xa2: {  	[sflag:s23] =	ssyncadd.s32 s6;
	_ =	sdelay $0x1  }
0xa3: {  	s24 =	simm.s32 $0x1B8B  }
0xa4: {  	_ =	swait.ge [sflag:s24], $0x1  }
0xa5: {  	[sflag:s24] =	ssyncset.done $0x0  }
0xa6: {  	s25 =	simm.s32 $0x1B8E;
	[sflag:s24] =	ssyncadd.s32 $0xFFFFFFFF  }
0xa7: {  	s26 =	simm.s32 $execute0_lowered;
	[smem:$0x3FD2] =	sst s25  }
0xa8: {  	s6 =	sshll.u32 s26, $0x1;
	_ =	strace $0x80000046;
	[dreg:$0x1] =	wrdreg $0xFFFFFFFF  }
0xa9: {  	s28 =	simm.s32 $_size_execute0_lowered;
	s5 =	sadd.s32 s5, s6;
	[dreg:$0x0] =	wrdreg $0x0  }
0xaa: {  	s6 =	sshll.u32 s28, $0x1;
	[dreg:$0x2] =	wrdreg s5  }
0xab: {  	[dreg:$0x3] =	wrdreg s6  }
0xac: {  	[dreg:$0x4] =	wrdreg $0xC0  }
0xad: {  	_ =	task [dreg:s9], $0x5FFFF  }
0xae: {  	[dreg:$0x1] =	wrdreg $0xFFFFFFFF  }
0xaf: {  	[dreg:$0x0] =	wrdreg $0x60  }
0xb0: {  	[dreg:$0x2] =	wrdreg s19  }
0xb1: {  	[dreg:$0x3] =	wrdreg s2  }
0xb2: {  	[dreg:$0x4] =	wrdreg s4  }
0xb3: {  	[dreg:$0x5] =	wrdreg $0x102000  }
0xb4: {  	[dreg:$0x6] =	wrdreg $0x9  }
0xb5: {  	_ =	task.clear_ibuf [dreg:s9], $0x7FFFF;
	_ =	strace $0x90000046  }
0xb6: {  	s29 =	simm.s32 $0x9;
	_ =	strace $0x80000048  }
0xb7: {  	_ =	swait.ge [sflag:s29], $0x1  }
0xb8: {  	[sflag:s29] =	ssyncadd.s32 $0xFFFFFFFF  }
0xb9: {  	_ =	strace $0x90000048  }
0xba: {  	_ =	sfence  }
0xbb: {  	s30 =	sld [smem:$0x0];
	_ =	sdelay $0x2  }
0xbc: {  	s31 =	sshll.u32 s1, $0xD;
	s1 =	sshrl.u32 s1, $0x2  }
0xbd: {  	s3 =	sand.u32 $0x4000, s31;
	s1 =	sadd.s32 s1, s30  }
0xbe: {  	s0 =	sor.u32 s3, s0;
	s1 =	sshll.u32 s1, $0x11  }
0xbf: {  	s0 =	sor.u32 s1, s0  }
0xc0: {  	s0 =	sadd.s32 $0x8F2B, s0  }
0xc1: {  	[sflag:s0] =	ssyncadd.remote.s32 $0x1  }
0xc2: {  	_ =	sfence.sel $0xFFFF  }
0xc3: {  	[dreg:$0x0] =	wrdreg $0xFFFFFFFF;
	(pc) =	sbr.abs _section_cstart, $3  }
0xc4: {  	[dreg:$0x1] =	wrdreg $0xFFFFFFFF  }
0xc5: {  	_ =	task.clear_ibuf [dreg:s9], $0x2FFFF;
	_ =	strace $0x9FFFFFFF  }
0xc6: {  	(tm) =	ssettm $0x7FFFFFFF  }
0xc7: {  	_ =	shalt  }
tec
execute0_lowered:
.L_overlay_start_1:
0x0: {  	(tag) =	ssettag $0x1  }
0x1: {  	s0 =	rddreg [dreg:$0x0]  }
0x2: {  	s1 =	rddreg [dreg:$0x1]  }
0x3: {  	s4 =	rddreg [dreg:$0x2]  }
0x4: {  	s2 =	rddreg [dreg:$0x3]  }
0x5: {  	s3 =	simm.s32 $0x0;
	s5 =	srdreg.scid;
	s7 =	stileid.u32  }
0x6: {  	s26 =	simm.s32 $0x40;
	s28 =	simm.s32 $0x60;
	[smem:$0x7FF] =	sst s3  }
0x7: {  	s29 =	simm.s32 $0x80;
	_ =	strace $0x80000047;
	[dreg:$0x18] =	wrdreg s26  }
0x8: {  	s30 =	sshll.u32 s7, $0xA;
	s31 =	sshll.u32 s7, $0x6;
	[dreg:$0x19] =	wrdreg s28  }
0x9: {  	s21 =	sshll.u32 s7, $0xD;
	s7 =	simm.s32 $0x160;
	[dreg:$0x1a] =	wrdreg s29  }
0xa: {  	s23 =	sand.u32 $0x1, s5;
	s0 =	sadd.s32 s0, s30;
	[smem:$0x7F8] =	sst s7  }
0xb: {  	s6 =	sshll.u32 s23, $0x9;
	[dreg:$0x5] =	wrdreg s0;
	s0 =	sor.u32 $0x1C11, s31  }
0xc: {  	s5 =	sor.u32 s6, s30;
	s30 =	simm.s32 $0xA0;
	[dreg:$0x6] =	wrdreg s0  }
0xd: {  	s31 =	simm.s32 $0xC0;
	s6 =	sshrl.u32 s5, $0x3;
	[dreg:$0x1b] =	wrdreg s30  }
0xe: {  	s5 =	sshll.u32 s5, $0x4;
	[dreg:$0x1c] =	wrdreg s31;
	s1 =	sadd.s32 s1, s6  }
0xf: {  	s8 =	sadd.s32 s4, s5;
	s4 =	simm.s32 $0x100;
	[dreg:$0x7] =	wrdreg s1  }
0x10: {  	s5 =	simm.s32 $0x120;
	[dreg:$0x1e] =	wrdreg s4  }
0x11: {  	s6 =	sadd.s32 $0x200, s8;
	[dreg:$0x1f] =	wrdreg s5  }
0x12: {  	s9 =	sadd.s32 $0x400, s8;
	[dreg:$0x8] =	wrdreg s6  }
0x13: {  	s10 =	sadd.s32 $0x600, s8;
	[dreg:$0x9] =	wrdreg s9  }
0x14: {  	s11 =	sadd.s32 $0x800, s8;
	[dreg:$0xa] =	wrdreg s10  }
0x15: {  	s12 =	sadd.s32 $0xA00, s8;
	[dreg:$0xb] =	wrdreg s11  }
0x16: {  	s13 =	sadd.s32 $0xC00, s8;
	[dreg:$0xc] =	wrdreg s12  }
0x17: {  	s14 =	sadd.s32 $0xE00, s8;
	[dreg:$0xd] =	wrdreg s13  }
0x18: {  	s15 =	sadd.s32 $0x1000, s8;
	[dreg:$0xe] =	wrdreg s14  }
0x19: {  	s16 =	sadd.s32 $0x1200, s8;
	[dreg:$0xf] =	wrdreg s15  }
0x1a: {  	s17 =	sadd.s32 $0x1400, s8;
	[dreg:$0x10] =	wrdreg s16  }
0x1b: {  	s18 =	sadd.s32 $0x1600, s8;
	[dreg:$0x11] =	wrdreg s17  }
0x1c: {  	s19 =	sadd.s32 $0x1800, s8;
	[dreg:$0x12] =	wrdreg s18  }
0x1d: {  	s20 =	sadd.s32 $0x1A00, s8;
	[dreg:$0x13] =	wrdreg s19  }
0x1e: {  	s22 =	sadd.s32 $0x1C00, s8;
	[dreg:$0x14] =	wrdreg s20  }
0x1f: {  	s24 =	sadd.s32 $0x1E00, s8;
	[dreg:$0x15] =	wrdreg s22  }
0x20: {  	[dreg:$0x16] =	wrdreg s24  }
0x21: {  	s1 =	sadd.s32 s21, s2;
	s12 =	rddreg [dreg:$0x6]  }
0x22: {  	s25 =	sshrl.u32 s1, $0x3;
	s14 =	rddreg [dreg:$0x5]  }
0x23: {  	s1 =	simm.s32 $0xE0;
	[dreg:$0x17] =	wrdreg s25  }
0x24: {  	s6 =	simm.s32 $0x140;
	[dreg:$0x1d] =	wrdreg s1  }
0x25: {  	s9 =	simm.s32 $0x180;
	[smem:$0x7F7] =	sst s6  }
0x26: {  	s10 =	simm.s32 $0x1A0;
	[smem:$0x7F9] =	sst s9  }
0x27: {  	s13 =	simm.s32 $0x1C0;
	[smem:$0x7FA] =	sst s10  }
0x28: {  	s15 =	simm.s32 $0x1E0;
	[smem:$0x7FB] =	sst s13  }
0x29: {  	[smem:$0x7FC] =	sst s15  }
0x2a: {  	s11 =	rddreg [dreg:$0x17]  }
0x2b: {  	[spmem:s11], [sflag:s12] =	dma.local [hbm:s14], $0x400  }
0x2c: {  	s5 =	simm.s32 $0x11;
	s0 =	rddreg [dreg:$0x7]  }
0x2d: {  	[tilespmem:s3], [sflag:$0x11] =	stream.linear.gather [hbm4b:s0+s3], $0x200, $0x38;
	[tilespmem:$0x12200] =	vst v63  }
0x2e: {  	_ =	swait.ge [sflag:s5], $0x400  }
0x2f: {  	[sflag:s5] =	ssyncset.done $0x0  }
0x30: {  	[sflag:s5] =	ssyncadd.s32 $0xFFFFFC00  }
0x31: {  	_ =	swait.ge [sflag:s5], $0x200  }
0x32: {  	[sflag:s5] =	ssyncset.done $0x0  }
0x33: {  	[sflag:s5] =	ssyncadd.s32 $0xFFFFFE00  }
0x34: {  	s4 =	simm.s32 $0x200;
	s6 =	simm.s32 $0x20;
	[bflag:$0x0] =	sbarrier.arrive $0xFFFF  }
0x35: {  	[tilespmem:s4], [sflag:$0x1] =	stream.indirect.gather [spmem:s2], $0x80, s3, s6, $0xb8;
	[tilespmem:$0x12200] =	vst v63  }
0x36: {  	s7 =	simm.s32 $0x1200;
	s16 =	rddreg [dreg:$0x18]  }
0x37: {  	[tilespmem:s7], [sflag:$0x2] =	stream.indirect.gather [spmem:s2], $0x80, s6, s6, $0xb8;
	[tilespmem:$0x12200] =	vst v63  }
0x38: {  	s9 =	simm.s32 $0x2200;
	s17 =	rddreg [dreg:$0x19]  }
0x39: {  	[tilespmem:s9], [sflag:$0x3] =	stream.indirect.gather [spmem:s2], $0x80, s16, s6, $0xb8;
	[tilespmem:$0x12200] =	vst v63  }
0x3a: {  	s10 =	simm.s32 $0x3200;
	s18 =	rddreg [dreg:$0x1a]  }
0x3b: {  	[tilespmem:s10], [sflag:$0x4] =	stream.indirect.gather [spmem:s2], $0x80, s17, s6, $0xb8;
	[tilespmem:$0x12200] =	vst v63  }
0x3c: {  	s11 =	simm.s32 $0x4200;
	s19 =	rddreg [dreg:$0x1b]  }
0x3d: {  	[tilespmem:s11], [sflag:$0x5] =	stream.indirect.gather [spmem:s2], $0x80, s18, s6, $0xb8;
	[tilespmem:$0x12200] =	vst v63  }
0x3e: {  	s12 =	simm.s32 $0x5200;
	s20 =	rddreg [dreg:$0x1c]  }
0x3f: {  	[tilespmem:s12], [sflag:$0x6] =	stream.indirect.gather [spmem:s2], $0x80, s19, s6, $0xb8;
	[tilespmem:$0x12200] =	vst v63  }
0x40: {  	s13 =	simm.s32 $0x6200;
	s21 =	rddreg [dreg:$0x1d]  }
0x41: {  	[tilespmem:s13], [sflag:$0x7] =	stream.indirect.gather [spmem:s2], $0x80, s20, s6, $0xb8;
	[tilespmem:$0x12200] =	vst v63  }
0x42: {  	s14 =	simm.s32 $0x7200;
	s22 =	rddreg [dreg:$0x1e]  }
0x43: {  	[tilespmem:s14], [sflag:$0x8] =	stream.indirect.gather [spmem:s2], $0x80, s21, s6, $0xb8;
	[tilespmem:$0x12200] =	vst v63  }
0x44: {  	s15 =	simm.s32 $0x8200;
	s24 =	rddreg [dreg:$0x1f]  }
0x45: {  	[tilespmem:s15], [sflag:$0x9] =	stream.indirect.gather [spmem:s2], $0x80, s22, s6, $0xb8;
	[tilespmem:$0x12200] =	vst v63  }
0x46: {  	s25 =	sld [smem:$0x7F7];
	s16 =	simm.s32 $0x9200  }
0x47: {  	[tilespmem:s16], [sflag:$0xA] =	stream.indirect.gather [spmem:s2], $0x80, s24, s6, $0xb8;
	[tilespmem:$0x12200] =	vst v63  }
0x48: {  	s26 =	sld [smem:$0x7F8];
	s17 =	simm.s32 $0xA200  }
0x49: {  	[tilespmem:s17], [sflag:$0xB] =	stream.indirect.gather [spmem:s2], $0x80, s25, s6, $0xb8;
	[tilespmem:$0x12200] =	vst v63  }
0x4a: {  	s28 =	sld [smem:$0x7F9];
	s18 =	simm.s32 $0xB200  }
0x4b: {  	[tilespmem:s18], [sflag:$0xC] =	stream.indirect.gather [spmem:s2], $0x80, s26, s6, $0xb8;
	[tilespmem:$0x12200] =	vst v63  }
0x4c: {  	s29 =	sld [smem:$0x7FA];
	s19 =	simm.s32 $0xC200  }
0x4d: {  	[tilespmem:s19], [sflag:$0xD] =	stream.indirect.gather [spmem:s2], $0x80, s28, s6, $0xb8;
	[tilespmem:$0x12200] =	vst v63  }
0x4e: {  	s30 =	sld [smem:$0x7FB];
	s20 =	simm.s32 $0xD200  }
0x4f: {  	[tilespmem:s20], [sflag:$0xE] =	stream.indirect.gather [spmem:s2], $0x80, s29, s6, $0xb8;
	[tilespmem:$0x12200] =	vst v63  }
0x50: {  	s31 =	sld [smem:$0x7FC];
	s21 =	simm.s32 $0xE200  }
0x51: {  	[tilespmem:s21], [sflag:$0xF] =	stream.indirect.gather [spmem:s2], $0x80, s30, s6, $0xb8;
	[tilespmem:$0x12200] =	vst v63  }
0x52: {  	s22 =	simm.s32 $0xF200;
	s24 =	simm.s32 $0x1  }
0x53: {  	[tilespmem:s22], [sflag:$0x10] =	stream.indirect.gather [spmem:s2], $0x80, s31, s6, $0xb8;
	[tilespmem:$0x12200] =	vst v63  }
0x54: {  	_ =	swait.ge [sflag:s24], $0x1000  }
0x55: {  	[sflag:s24] =	ssyncset.done $0x0  }
0x56: {  	s25 =	simm.s32 $0x2;
	[smem:$0x7FD] =	sst s8;
	[sflag:s24] =	ssyncadd.s32 $0xFFFFF000  }
0x57: {  	[hbm4b:s8+s3] =	stream.linear.scatter [tilespmem:s4], [sflag:$0x11], $0x1000, $0x38;
	[tilespmem:$0x12200] =	vst v63  }
0x58: {  	_ =	swait.ge [sflag:s25], $0x1000  }
0x59: {  	[sflag:s25] =	ssyncset.done $0x0  }
0x5a: {  	s28 =	simm.s32 $0x3;
	s26 =	rddreg [dreg:$0x8];
	[sflag:s25] =	ssyncadd.s32 $0xFFFFF000  }
0x5b: {  	[hbm4b:s26+s3] =	stream.linear.scatter [tilespmem:s7], [sflag:$0x11], $0x1000, $0x38;
	[tilespmem:$0x12200] =	vst v63  }
0x5c: {  	_ =	swait.ge [sflag:s28], $0x1000  }
0x5d: {  	[sflag:s28] =	ssyncset.done $0x0  }
0x5e: {  	s30 =	simm.s32 $0x4;
	s29 =	rddreg [dreg:$0x9];
	[sflag:s28] =	ssyncadd.s32 $0xFFFFF000  }
0x5f: {  	[hbm4b:s29+s3] =	stream.linear.scatter [tilespmem:s9], [sflag:$0x11], $0x1000, $0x38;
	[tilespmem:$0x12200] =	vst v63  }
0x60: {  	_ =	swait.ge [sflag:s30], $0x1000  }
0x61: {  	[sflag:s30] =	ssyncset.done $0x0  }
0x62: {  	s4 =	simm.s32 $0x5;
	s31 =	rddreg [dreg:$0xa];
	[sflag:s30] =	ssyncadd.s32 $0xFFFFF000  }
0x63: {  	[hbm4b:s31+s3] =	stream.linear.scatter [tilespmem:s10], [sflag:$0x11], $0x1000, $0x38;
	[tilespmem:$0x12200] =	vst v63  }
0x64: {  	_ =	swait.ge [sflag:s4], $0x1000  }
0x65: {  	[sflag:s4] =	ssyncset.done $0x0  }
0x66: {  	s8 =	simm.s32 $0x6;
	s7 =	rddreg [dreg:$0xb];
	[sflag:s4] =	ssyncadd.s32 $0xFFFFF000  }
0x67: {  	[hbm4b:s7+s3] =	stream.linear.scatter [tilespmem:s11], [sflag:$0x11], $0x1000, $0x38;
	[tilespmem:$0x12200] =	vst v63  }
0x68: {  	_ =	swait.ge [sflag:s8], $0x1000  }
0x69: {  	[sflag:s8] =	ssyncset.done $0x0  }
0x6a: {  	s10 =	simm.s32 $0x7;
	s9 =	rddreg [dreg:$0xc];
	[sflag:s8] =	ssyncadd.s32 $0xFFFFF000  }
0x6b: {  	[hbm4b:s9+s3] =	stream.linear.scatter [tilespmem:s12], [sflag:$0x11], $0x1000, $0x38;
	[tilespmem:$0x12200] =	vst v63  }
0x6c: {  	_ =	swait.ge [sflag:s10], $0x1000  }
0x6d: {  	[sflag:s10] =	ssyncset.done $0x0  }
0x6e: {  	s12 =	simm.s32 $0x8;
	s11 =	rddreg [dreg:$0xd];
	[sflag:s10] =	ssyncadd.s32 $0xFFFFF000  }
0x6f: {  	[hbm4b:s11+s3] =	stream.linear.scatter [tilespmem:s13], [sflag:$0x11], $0x1000, $0x38;
	[tilespmem:$0x12200] =	vst v63  }
0x70: {  	_ =	swait.ge [sflag:s12], $0x1000  }
0x71: {  	[sflag:s12] =	ssyncset.done $0x0  }
0x72: {  	s0 =	simm.s32 $0x9;
	s13 =	rddreg [dreg:$0xe];
	[sflag:s12] =	ssyncadd.s32 $0xFFFFF000  }
0x73: {  	[hbm4b:s13+s3] =	stream.linear.scatter [tilespmem:s14], [sflag:$0x11], $0x1000, $0x38;
	[tilespmem:$0x12200] =	vst v63  }
0x74: {  	_ =	swait.ge [sflag:s0], $0x1000  }
0x75: {  	[sflag:s0] =	ssyncset.done $0x0  }
0x76: {  	s1 =	simm.s32 $0xA;
	s14 =	rddreg [dreg:$0xf];
	[sflag:s0] =	ssyncadd.s32 $0xFFFFF000  }
0x77: {  	[hbm4b:s14+s3] =	stream.linear.scatter [tilespmem:s15], [sflag:$0x11], $0x1000, $0x38;
	[tilespmem:$0x12200] =	vst v63  }
0x78: {  	_ =	swait.ge [sflag:s1], $0x1000  }
0x79: {  	[sflag:s1] =	ssyncset.done $0x0  }
0x7a: {  	s4 =	simm.s32 $0xB;
	s15 =	rddreg [dreg:$0x10];
	[sflag:s1] =	ssyncadd.s32 $0xFFFFF000  }
0x7b: {  	[hbm4b:s15+s3] =	stream.linear.scatter [tilespmem:s16], [sflag:$0x11], $0x1000, $0x38;
	[tilespmem:$0x12200] =	vst v63  }
0x7c: {  	_ =	swait.ge [sflag:s4], $0x1000  }
0x7d: {  	[sflag:s4] =	ssyncset.done $0x0  }
0x7e: {  	s7 =	simm.s32 $0xC;
	s16 =	rddreg [dreg:$0x11];
	[sflag:s4] =	ssyncadd.s32 $0xFFFFF000  }
0x7f: {  	[hbm4b:s16+s3] =	stream.linear.scatter [tilespmem:s17], [sflag:$0x11], $0x1000, $0x38;
	[tilespmem:$0x12200] =	vst v63  }
0x80: {  	_ =	swait.ge [sflag:s7], $0x1000  }
0x81: {  	[sflag:s7] =	ssyncset.done $0x0  }
0x82: {  	s8 =	simm.s32 $0xD;
	s24 =	rddreg [dreg:$0x12];
	[sflag:s7] =	ssyncadd.s32 $0xFFFFF000  }
0x83: {  	[hbm4b:s24+s3] =	stream.linear.scatter [tilespmem:s18], [sflag:$0x11], $0x1000, $0x38;
	[tilespmem:$0x12200] =	vst v63  }
0x84: {  	_ =	swait.ge [sflag:s8], $0x1000  }
0x85: {  	[sflag:s8] =	ssyncset.done $0x0  }
0x86: {  	s9 =	simm.s32 $0xE;
	s25 =	rddreg [dreg:$0x13];
	[sflag:s8] =	ssyncadd.s32 $0xFFFFF000  }
0x87: {  	[hbm4b:s25+s3] =	stream.linear.scatter [tilespmem:s19], [sflag:$0x11], $0x1000, $0x38;
	[tilespmem:$0x12200] =	vst v63  }
0x88: {  	_ =	swait.ge [sflag:s9], $0x1000  }
0x89: {  	[sflag:s9] =	ssyncset.done $0x0  }
0x8a: {  	s10 =	simm.s32 $0xF;
	s26 =	rddreg [dreg:$0x14];
	[sflag:s9] =	ssyncadd.s32 $0xFFFFF000  }
0x8b: {  	[hbm4b:s26+s3] =	stream.linear.scatter [tilespmem:s20], [sflag:$0x11], $0x1000, $0x38;
	[tilespmem:$0x12200] =	vst v63  }
0x8c: {  	_ =	swait.ge [sflag:s10], $0x1000  }
0x8d: {  	[sflag:s10] =	ssyncset.done $0x0  }
0x8e: {  	s11 =	simm.s32 $0x10;
	s28 =	rddreg [dreg:$0x15];
	[sflag:s10] =	ssyncadd.s32 $0xFFFFF000  }
0x8f: {  	[hbm4b:s28+s3] =	stream.linear.scatter [tilespmem:s21], [sflag:$0x11], $0x1000, $0x38;
	[tilespmem:$0x12200] =	vst v63  }
0x90: {  	_ =	swait.ge [sflag:s11], $0x1000  }
0x91: {  	[sflag:s11] =	ssyncset.done $0x0  }
0x92: {  	s29 =	rddreg [dreg:$0x16];
	[sflag:s11] =	ssyncadd.s32 $0xFFFFF000  }
0x93: {  	[hbm4b:s29+s3] =	stream.linear.scatter [tilespmem:s22], [sflag:$0x11], $0x1000, $0x38;
	[tilespmem:$0x12200] =	vst v63  }
0x94: {  	_ =	swait.ge [sflag:s5], $0x1000  }
0x95: {  	[sflag:s5] =	ssyncset.done $0x0  }
0x96: {  	[sflag:s5] =	ssyncadd.s32 $0xFFFFF000  }
0x97: {  	_ =	swait.ge [sflag:s5], $0x1000  }
0x98: {  	[sflag:s5] =	ssyncset.done $0x0  }
0x99: {  	[sflag:s5] =	ssyncadd.s32 $0xFFFFF000  }
0x9a: {  	_ =	swait.ge [sflag:s5], $0x1000  }
0x9b: {  	[sflag:s5] =	ssyncset.done $0x0  }
0x9c: {  	[sflag:s5] =	ssyncadd.s32 $0xFFFFF000  }
0x9d: {  	_ =	swait.ge [sflag:s5], $0x1000  }
0x9e: {  	[sflag:s5] =	ssyncset.done $0x0  }
0x9f: {  	[sflag:s5] =	ssyncadd.s32 $0xFFFFF000  }
0xa0: {  	_ =	swait.ge [sflag:s5], $0x1000  }
0xa1: {  	[sflag:s5] =	ssyncset.done $0x0  }
0xa2: {  	[sflag:s5] =	ssyncadd.s32 $0xFFFFF000  }
0xa3: {  	_ =	swait.ge [sflag:s5], $0x1000  }
0xa4: {  	[sflag:s5] =	ssyncset.done $0x0  }
0xa5: {  	[sflag:s5] =	ssyncadd.s32 $0xFFFFF000  }
0xa6: {  	_ =	swait.ge [sflag:s5], $0x1000  }
0xa7: {  	[sflag:s5] =	ssyncset.done $0x0  }
0xa8: {  	[sflag:s5] =	ssyncadd.s32 $0xFFFFF000  }
0xa9: {  	_ =	swait.ge [sflag:s5], $0x1000  }
0xaa: {  	[sflag:s5] =	ssyncset.done $0x0  }
0xab: {  	[sflag:s5] =	ssyncadd.s32 $0xFFFFF000  }
0xac: {  	_ =	swait.ge [sflag:s5], $0x1000  }
0xad: {  	[sflag:s5] =	ssyncset.done $0x0  }
0xae: {  	[sflag:s5] =	ssyncadd.s32 $0xFFFFF000  }
0xaf: {  	_ =	swait.ge [sflag:s5], $0x1000  }
0xb0: {  	[sflag:s5] =	ssyncset.done $0x0  }
0xb1: {  	[sflag:s5] =	ssyncadd.s32 $0xFFFFF000  }
0xb2: {  	_ =	swait.ge [sflag:s5], $0x1000  }
0xb3: {  	[sflag:s5] =	ssyncset.done $0x0  }
0xb4: {  	[sflag:s5] =	ssyncadd.s32 $0xFFFFF000  }
0xb5: {  	_ =	swait.ge [sflag:s5], $0x1000  }
0xb6: {  	[sflag:s5] =	ssyncset.done $0x0  }
0xb7: {  	s30 =	ssub.s32 $0x2, s23;
	[sflag:s5] =	ssyncadd.s32 $0xFFFFF000  }
0xb8: {  	s31 =	sshrl.u32 s30, $0x1;
	_ =	swait.ge [sflag:s5], $0x1000  }
0xb9: {  	s12 =	ssub.s32 s30, s31;
	[sflag:s5] =	ssyncset.done $0x0  }
0xba: {  	s12 =	smax.u32 s12, $0x1;
	[sflag:s5] =	ssyncadd.s32 $0xFFFFF000  }
0xbb: {  	p0 =	sne.s32 s12, $0x1;
	_ =	swait.ge [sflag:s5], $0x1000  }
.Ltmp0:
0xbc: {  	[sflag:s5] =	ssyncset.done $0x0;
	(pc) =	sbr.rel @!p0 .LBB2_3-.Ltmp0, $4  }
0xbd: {  	[sflag:s5] =	ssyncadd.s32 $0xFFFFF000  }
0xbe: {  	_ =	swait.ge [sflag:s5], $0x1000  }
0xbf: {  	[sflag:s5] =	ssyncset.done $0x0  }
0xc0: {  	s12 =	sadd.s32 $0xFFFFFFFF, s12;
	[sflag:s5] =	ssyncadd.s32 $0xFFFFF000  }
0xc1: {  	s17 =	simm.s32 $0x1200;
	s18 =	simm.s32 $0x2200;
	s19 =	simm.s32 $0x3200  }
0xc2: {  	s20 =	simm.s32 $0x4200;
	s21 =	simm.s32 $0x5200;
	s22 =	simm.s32 $0x6200  }
0xc3: {  	s16 =	simm.s32 $0x7200;
	s23 =	simm.s32 $0x8200;
	s24 =	simm.s32 $0x9200  }
0xc4: {  	s25 =	simm.s32 $0xA200;
	s26 =	simm.s32 $0xB200;
	s28 =	simm.s32 $0xC200  }
0xc5: {  	s29 =	simm.s32 $0xD200;
	s30 =	simm.s32 $0xE200;
	s31 =	simm.s32 $0xF200  }
.LBB2_2:
0xc6: {  	_ =	swait.ge [sflag:s5], $0x1000  }
0xc7: {  	s13 =	rddreg [dreg:$0x17]  }
0xc8: {  	[sflag:s5] =	ssyncset.done $0x0;
	s14 =	rddreg [dreg:$0x6]  }
0xc9: {  	s15 =	rddreg [dreg:$0x5];
	[sflag:s5] =	ssyncadd.s32 $0xFFFFF000  }
0xca: {  	[spmem:s13], [sflag:s14] =	dma.local [hbm:s15], $0x400  }
0xcb: {  	s13 =	rddreg [dreg:$0x7]  }
0xcc: {  	[tilespmem:s3], [sflag:$0x11] =	stream.linear.gather [hbm4b:s13+s3], $0x200, $0x38;
	[tilespmem:$0x12200] =	vst v63  }
0xcd: {  	_ =	swait.ge [sflag:s5], $0x400  }
0xce: {  	[sflag:s5] =	ssyncset.done $0x0  }
0xcf: {  	[sflag:s5] =	ssyncadd.s32 $0xFFFFFC00  }
0xd0: {  	_ =	swait.ge [sflag:s5], $0x200  }
0xd1: {  	[sflag:s5] =	ssyncset.done $0x0  }
0xd2: {  	[sflag:s5] =	ssyncadd.s32 $0xFFFFFE00  }
0xd3: {  	s15 =	simm.s32 $0x200;
	[bflag:$0x0] =	sbarrier.arrive $0xFFFF  }
0xd4: {  	[tilespmem:s15], [sflag:$0x1] =	stream.indirect.gather [spmem:s2], $0x80, s3, s6, $0xb8;
	[tilespmem:$0x12200] =	vst v63  }
0xd5: {  	s13 =	rddreg [dreg:$0x18]  }
0xd6: {  	[tilespmem:s17], [sflag:$0x2] =	stream.indirect.gather [spmem:s2], $0x80, s6, s6, $0xb8;
	[tilespmem:$0x12200] =	vst v63  }
0xd7: {  	s14 =	rddreg [dreg:$0x19]  }
0xd8: {  	[tilespmem:s18], [sflag:$0x3] =	stream.indirect.gather [spmem:s2], $0x80, s13, s6, $0xb8;
	[tilespmem:$0x12200] =	vst v63  }
0xd9: {  	s13 =	rddreg [dreg:$0x1a]  }
0xda: {  	[tilespmem:s19], [sflag:$0x4] =	stream.indirect.gather [spmem:s2], $0x80, s14, s6, $0xb8;
	[tilespmem:$0x12200] =	vst v63  }
0xdb: {  	s14 =	rddreg [dreg:$0x1b]  }
0xdc: {  	[tilespmem:s20], [sflag:$0x5] =	stream.indirect.gather [spmem:s2], $0x80, s13, s6, $0xb8;
	[tilespmem:$0x12200] =	vst v63  }
0xdd: {  	s13 =	rddreg [dreg:$0x1c]  }
0xde: {  	[tilespmem:s21], [sflag:$0x6] =	stream.indirect.gather [spmem:s2], $0x80, s14, s6, $0xb8;
	[tilespmem:$0x12200] =	vst v63  }
0xdf: {  	s14 =	rddreg [dreg:$0x1d]  }
0xe0: {  	[tilespmem:s22], [sflag:$0x7] =	stream.indirect.gather [spmem:s2], $0x80, s13, s6, $0xb8;
	[tilespmem:$0x12200] =	vst v63  }
0xe1: {  	s13 =	rddreg [dreg:$0x1e]  }
0xe2: {  	[tilespmem:s16], [sflag:$0x8] =	stream.indirect.gather [spmem:s2], $0x80, s14, s6, $0xb8;
	[tilespmem:$0x12200] =	vst v63  }
0xe3: {  	s14 =	rddreg [dreg:$0x1f]  }
0xe4: {  	[tilespmem:s23], [sflag:$0x9] =	stream.indirect.gather [spmem:s2], $0x80, s13, s6, $0xb8;
	[tilespmem:$0x12200] =	vst v63  }
0xe5: {  	s13 =	sld [smem:$0x7F7]  }
0xe6: {  	[tilespmem:s24], [sflag:$0xA] =	stream.indirect.gather [spmem:s2], $0x80, s14, s6, $0xb8;
	[tilespmem:$0x12200] =	vst v63  }
0xe7: {  	s14 =	sld [smem:$0x7F8]  }
0xe8: {  	[tilespmem:s25], [sflag:$0xB] =	stream.indirect.gather [spmem:s2], $0x80, s13, s6, $0xb8;
	[tilespmem:$0x12200] =	vst v63  }
0xe9: {  	s13 =	sld [smem:$0x7F9]  }
0xea: {  	[tilespmem:s26], [sflag:$0xC] =	stream.indirect.gather [spmem:s2], $0x80, s14, s6, $0xb8;
	[tilespmem:$0x12200] =	vst v63  }
0xeb: {  	s14 =	sld [smem:$0x7FA]  }
0xec: {  	[tilespmem:s28], [sflag:$0xD] =	stream.indirect.gather [spmem:s2], $0x80, s13, s6, $0xb8;
	[tilespmem:$0x12200] =	vst v63  }
0xed: {  	s13 =	sld [smem:$0x7FB]  }
0xee: {  	[tilespmem:s29], [sflag:$0xE] =	stream.indirect.gather [spmem:s2], $0x80, s14, s6, $0xb8;
	[tilespmem:$0x12200] =	vst v63  }
0xef: {  	s14 =	sld [smem:$0x7FC]  }
0xf0: {  	[tilespmem:s30], [sflag:$0xF] =	stream.indirect.gather [spmem:s2], $0x80, s13, s6, $0xb8;
	[tilespmem:$0x12200] =	vst v63  }
0xf1: {  	_ = 	snop  }
0xf2: {  	[tilespmem:s31], [sflag:$0x10] =	stream.indirect.gather [spmem:s2], $0x80, s14, s6, $0xb8;
	[tilespmem:$0x12200] =	vst v63  }
0xf3: {  	s14 =	simm.s32 $0x1  }
0xf4: {  	_ =	swait.ge [sflag:s14], $0x1000  }
0xf5: {  	[sflag:s14] =	ssyncset.done $0x0  }
0xf6: {  	[sflag:s14] =	ssyncadd.s32 $0xFFFFF000;
	s14 =	sld [smem:$0x7FD];
	_ =	sdelay $0x1  }
0xf7: {  	s13 =	simm.s32 $0x2  }
0xf8: {  	[hbm4b:s14+s3] =	stream.linear.scatter [tilespmem:s15], [sflag:$0x11], $0x1000, $0x38;
	[tilespmem:$0x12200] =	vst v63  }
0xf9: {  	_ =	swait.ge [sflag:s13], $0x1000  }
0xfa: {  	[sflag:s13] =	ssyncset.done $0x0  }
0xfb: {  	s15 =	rddreg [dreg:$0x8];
	[sflag:s13] =	ssyncadd.s32 $0xFFFFF000;
	s13 =	simm.s32 $0x3  }
0xfc: {  	[hbm4b:s15+s3] =	stream.linear.scatter [tilespmem:s17], [sflag:$0x11], $0x1000, $0x38;
	[tilespmem:$0x12200] =	vst v63  }
0xfd: {  	_ =	swait.ge [sflag:s13], $0x1000  }
0xfe: {  	[sflag:s13] =	ssyncset.done $0x0  }
0xff: {  	s15 =	rddreg [dreg:$0x9];
	[sflag:s13] =	ssyncadd.s32 $0xFFFFF000;
	s13 =	simm.s32 $0x4  }
0x100: {  	[hbm4b:s15+s3] =	stream.linear.scatter [tilespmem:s18], [sflag:$0x11], $0x1000, $0x38;
	[tilespmem:$0x12200] =	vst v63  }
0x101: {  	_ =	swait.ge [sflag:s13], $0x1000  }
0x102: {  	[sflag:s13] =	ssyncset.done $0x0  }
0x103: {  	s15 =	rddreg [dreg:$0xa];
	[sflag:s13] =	ssyncadd.s32 $0xFFFFF000;
	s13 =	simm.s32 $0x5  }
0x104: {  	[hbm4b:s15+s3] =	stream.linear.scatter [tilespmem:s19], [sflag:$0x11], $0x1000, $0x38;
	[tilespmem:$0x12200] =	vst v63  }
0x105: {  	_ =	swait.ge [sflag:s13], $0x1000  }
0x106: {  	[sflag:s13] =	ssyncset.done $0x0  }
0x107: {  	s15 =	rddreg [dreg:$0xb];
	[sflag:s13] =	ssyncadd.s32 $0xFFFFF000;
	s13 =	simm.s32 $0x6  }
0x108: {  	[hbm4b:s15+s3] =	stream.linear.scatter [tilespmem:s20], [sflag:$0x11], $0x1000, $0x38;
	[tilespmem:$0x12200] =	vst v63  }
0x109: {  	_ =	swait.ge [sflag:s13], $0x1000  }
0x10a: {  	[sflag:s13] =	ssyncset.done $0x0  }
0x10b: {  	s15 =	rddreg [dreg:$0xc];
	[sflag:s13] =	ssyncadd.s32 $0xFFFFF000;
	s13 =	simm.s32 $0x7  }
0x10c: {  	[hbm4b:s15+s3] =	stream.linear.scatter [tilespmem:s21], [sflag:$0x11], $0x1000, $0x38;
	[tilespmem:$0x12200] =	vst v63  }
0x10d: {  	_ =	swait.ge [sflag:s13], $0x1000  }
0x10e: {  	[sflag:s13] =	ssyncset.done $0x0  }
0x10f: {  	s15 =	rddreg [dreg:$0xd];
	[sflag:s13] =	ssyncadd.s32 $0xFFFFF000;
	s13 =	simm.s32 $0x8  }
0x110: {  	[hbm4b:s15+s3] =	stream.linear.scatter [tilespmem:s22], [sflag:$0x11], $0x1000, $0x38;
	[tilespmem:$0x12200] =	vst v63  }
0x111: {  	_ =	swait.ge [sflag:s13], $0x1000  }
0x112: {  	[sflag:s13] =	ssyncset.done $0x0  }
0x113: {  	s15 =	rddreg [dreg:$0xe];
	[sflag:s13] =	ssyncadd.s32 $0xFFFFF000  }
0x114: {  	[hbm4b:s15+s3] =	stream.linear.scatter [tilespmem:s16], [sflag:$0x11], $0x1000, $0x38;
	[tilespmem:$0x12200] =	vst v63  }
0x115: {  	_ =	swait.ge [sflag:s0], $0x1000  }
0x116: {  	[sflag:s0] =	ssyncset.done $0x0  }
0x117: {  	s14 =	rddreg [dreg:$0xf];
	[sflag:s0] =	ssyncadd.s32 $0xFFFFF000  }
0x118: {  	[hbm4b:s14+s3] =	stream.linear.scatter [tilespmem:s23], [sflag:$0x11], $0x1000, $0x38;
	[tilespmem:$0x12200] =	vst v63  }
0x119: {  	_ =	swait.ge [sflag:s1], $0x1000  }
0x11a: {  	[sflag:s1] =	ssyncset.done $0x0  }
0x11b: {  	s15 =	rddreg [dreg:$0x10];
	[sflag:s1] =	ssyncadd.s32 $0xFFFFF000  }
0x11c: {  	[hbm4b:s15+s3] =	stream.linear.scatter [tilespmem:s24], [sflag:$0x11], $0x1000, $0x38;
	[tilespmem:$0x12200] =	vst v63  }
0x11d: {  	_ =	swait.ge [sflag:s4], $0x1000  }
0x11e: {  	[sflag:s4] =	ssyncset.done $0x0  }
0x11f: {  	s14 =	rddreg [dreg:$0x11];
	[sflag:s4] =	ssyncadd.s32 $0xFFFFF000  }
0x120: {  	[hbm4b:s14+s3] =	stream.linear.scatter [tilespmem:s25], [sflag:$0x11], $0x1000, $0x38;
	[tilespmem:$0x12200] =	vst v63  }
0x121: {  	_ =	swait.ge [sflag:s7], $0x1000  }
0x122: {  	[sflag:s7] =	ssyncset.done $0x0  }
0x123: {  	s15 =	rddreg [dreg:$0x12];
	[sflag:s7] =	ssyncadd.s32 $0xFFFFF000  }
0x124: {  	[hbm4b:s15+s3] =	stream.linear.scatter [tilespmem:s26], [sflag:$0x11], $0x1000, $0x38;
	[tilespmem:$0x12200] =	vst v63  }
0x125: {  	_ =	swait.ge [sflag:s8], $0x1000  }
0x126: {  	[sflag:s8] =	ssyncset.done $0x0  }
0x127: {  	s14 =	rddreg [dreg:$0x13];
	[sflag:s8] =	ssyncadd.s32 $0xFFFFF000  }
0x128: {  	[hbm4b:s14+s3] =	stream.linear.scatter [tilespmem:s28], [sflag:$0x11], $0x1000, $0x38;
	[tilespmem:$0x12200] =	vst v63  }
0x129: {  	_ =	swait.ge [sflag:s9], $0x1000  }
0x12a: {  	[sflag:s9] =	ssyncset.done $0x0  }
0x12b: {  	s15 =	rddreg [dreg:$0x14];
	[sflag:s9] =	ssyncadd.s32 $0xFFFFF000  }
0x12c: {  	[hbm4b:s15+s3] =	stream.linear.scatter [tilespmem:s29], [sflag:$0x11], $0x1000, $0x38;
	[tilespmem:$0x12200] =	vst v63  }
0x12d: {  	_ =	swait.ge [sflag:s10], $0x1000  }
0x12e: {  	[sflag:s10] =	ssyncset.done $0x0  }
0x12f: {  	s14 =	rddreg [dreg:$0x15];
	[sflag:s10] =	ssyncadd.s32 $0xFFFFF000  }
0x130: {  	[hbm4b:s14+s3] =	stream.linear.scatter [tilespmem:s30], [sflag:$0x11], $0x1000, $0x38;
	[tilespmem:$0x12200] =	vst v63  }
0x131: {  	_ =	swait.ge [sflag:s11], $0x1000  }
0x132: {  	[sflag:s11] =	ssyncset.done $0x0  }
0x133: {  	s15 =	rddreg [dreg:$0x16];
	[sflag:s11] =	ssyncadd.s32 $0xFFFFF000  }
0x134: {  	[hbm4b:s15+s3] =	stream.linear.scatter [tilespmem:s31], [sflag:$0x11], $0x1000, $0x38;
	[tilespmem:$0x12200] =	vst v63  }
0x135: {  	_ =	swait.ge [sflag:s5], $0x1000  }
0x136: {  	[sflag:s5] =	ssyncset.done $0x0  }
0x137: {  	[sflag:s5] =	ssyncadd.s32 $0xFFFFF000  }
0x138: {  	_ =	swait.ge [sflag:s5], $0x1000  }
0x139: {  	[sflag:s5] =	ssyncset.done $0x0  }
0x13a: {  	[sflag:s5] =	ssyncadd.s32 $0xFFFFF000  }
0x13b: {  	_ =	swait.ge [sflag:s5], $0x1000  }
0x13c: {  	[sflag:s5] =	ssyncset.done $0x0  }
0x13d: {  	[sflag:s5] =	ssyncadd.s32 $0xFFFFF000  }
0x13e: {  	_ =	swait.ge [sflag:s5], $0x1000  }
0x13f: {  	[sflag:s5] =	ssyncset.done $0x0  }
0x140: {  	[sflag:s5] =	ssyncadd.s32 $0xFFFFF000  }
0x141: {  	_ =	swait.ge [sflag:s5], $0x1000  }
0x142: {  	[sflag:s5] =	ssyncset.done $0x0  }
0x143: {  	[sflag:s5] =	ssyncadd.s32 $0xFFFFF000  }
0x144: {  	_ =	swait.ge [sflag:s5], $0x1000  }
0x145: {  	[sflag:s5] =	ssyncset.done $0x0  }
0x146: {  	[sflag:s5] =	ssyncadd.s32 $0xFFFFF000  }
0x147: {  	_ =	swait.ge [sflag:s5], $0x1000  }
0x148: {  	[sflag:s5] =	ssyncset.done $0x0  }
0x149: {  	[sflag:s5] =	ssyncadd.s32 $0xFFFFF000  }
0x14a: {  	_ =	swait.ge [sflag:s5], $0x1000  }
0x14b: {  	[sflag:s5] =	ssyncset.done $0x0  }
0x14c: {  	[sflag:s5] =	ssyncadd.s32 $0xFFFFF000  }
0x14d: {  	_ =	swait.ge [sflag:s5], $0x1000  }
0x14e: {  	[sflag:s5] =	ssyncset.done $0x0  }
0x14f: {  	[sflag:s5] =	ssyncadd.s32 $0xFFFFF000  }
0x150: {  	_ =	swait.ge [sflag:s5], $0x1000  }
0x151: {  	[sflag:s5] =	ssyncset.done $0x0  }
0x152: {  	[sflag:s5] =	ssyncadd.s32 $0xFFFFF000  }
0x153: {  	_ =	swait.ge [sflag:s5], $0x1000  }
0x154: {  	[sflag:s5] =	ssyncset.done $0x0  }
0x155: {  	[sflag:s5] =	ssyncadd.s32 $0xFFFFF000  }
0x156: {  	_ =	swait.ge [sflag:s5], $0x1000  }
0x157: {  	[sflag:s5] =	ssyncset.done $0x0  }
0x158: {  	[sflag:s5] =	ssyncadd.s32 $0xFFFFF000  }
0x159: {  	_ =	swait.ge [sflag:s5], $0x1000  }
0x15a: {  	[sflag:s5] =	ssyncset.done $0x0  }
0x15b: {  	[sflag:s5] =	ssyncadd.s32 $0xFFFFF000  }
0x15c: {  	p0 =	sne.s32 s12, $0x1;
	_ =	swait.ge [sflag:s5], $0x1000  }
.Ltmp1:
0x15d: {  	[sflag:s5] =	ssyncset.done $0x0;
	(pc) =	sbr.rel @p0 .LBB2_2-.Ltmp1, $4  }
0x15e: {  	[sflag:s5] =	ssyncadd.s32 $0xFFFFF000  }
0x15f: {  	_ =	swait.ge [sflag:s5], $0x1000  }
0x160: {  	[sflag:s5] =	ssyncset.done $0x0  }
0x161: {  	s12 =	sadd.s32 $0xFFFFFFFF, s12;
	[sflag:s5] =	ssyncadd.s32 $0xFFFFF000  }
.LBB2_3:
0x162: {  	_ =	swait.ge [sflag:s5], $0x1000  }
0x163: {  	[sflag:s5] =	ssyncset.done $0x0  }
0x164: {  	[sflag:s5] =	ssyncadd.s32 $0xFFFFF000  }
0x165: {  	_ =	sfence.sel $0x180000  }
0x166: {  	[bflag:$0x0] =	sbarrier.arrive $0xFFFF  }
0x167: {  	_ =	strace $0x90000047  }
0x168: {  	s0 =	stileid.u32;
	[bflag:$0x2] =	sbarrier.arrive $0xFFFF  }
0x169: {  	p0 =	sne.s32 s0, $0x0;
	s0 =	rddreg [dreg:$0x4]  }
0x16a: {  	s0 =	sadd.s32 @!p0 $0x100000, s0  }
0x16b: {  	[sflag:s0] =	ssyncadd.tile.s32 @!p0 $0x1;
	_ =	shalt  }
.Lfunc_end2:
_tile_overlayer_lowered:
.L_overlay_start_2:
0x16c: {  	(tag) =	ssettag $0x2  }
0x16d: {  	s0 =	rddreg [dreg:$0x0];
	s2 =	stileid.u32  }
0x16e: {  	s1 =	rddreg [dreg:$0x1];
	p0 =	sne.s32 s2, $0x0  }
0x16f: {  	s3 =	rddreg [dreg:$0x2];
	[bflag:$0x3] =	sbarrier.arrive $0xFFFF;
	s2 =	simm.s32 @!p0 $0x1C12  }
0x170: {  	[timem:s3], [sflag:s2] =	dma.local @!p0 [hbm:s0], s1  }
0x171: {  	s0 =	simm.s32 @!p0 $0x12  }
0x172: {  	_ =	swait.ge @!p0 [sflag:s0], s1  }
0x173: {  	s1 =	ssub.s32 @!p0 $0x0, s1;
	[sflag:s0] =	ssyncset.done @!p0 $0x0  }
0x174: {  	[sflag:s0] =	ssyncadd.s32 @!p0 s1  }
0x175: {  	[bflag:$0x3] =	sbarrier.arrive $0xFFFF  }
0x176: {  	_ =	shalt  }

</sc_bundles>
